<compile_context>
chip_gen: v7x
topology: tpu7x:2x2x1
jax: 0.10.2.dev20260603
libtpu: 0.0.44.dev20260713+nightly
codegen_flags: <defaults>
</compile_context>

<pallas_src>
import functools

import jax
import jax.numpy as jnp
from jax import lax
from jax.experimental import pallas as pl
from jax.experimental.pallas import tpu as pltpu
from jax.experimental.pallas import tpu_sc as plsc

NC = 2
NS = 16
NW = NC * NS
CHUNK = 128
N = 10000
NP = 10240
D = 128
B = 64
ROWS_PER_SUB = NP // NS

_F32 = jnp.float32
_HIGH = lax.Precision.DEFAULT


def _mm_t(a, w):
    return lax.dot_general(a, w, dimension_numbers=(((1,), (1,)), ((), ())),
                           precision=_HIGH, preferred_element_type=_F32)



C_EVEN = 96
C_ODD = 62
MAXC = max(C_EVEN, C_ODD)


def _sc_segment_sum(m, idx4, zrows):
    mesh = plsc.VectorSubcoreMesh(core_axis_name="c", subcore_axis_name="s")

    @functools.partial(
        pl.kernel,
        out_type=jax.ShapeDtypeStruct((NC, NP, D), _F32),
        mesh=mesh,
        scratch_types=[
            pltpu.VMEM((2, MAXC, CHUNK), jnp.int32),
            pltpu.VMEM((CHUNK, D), _F32),
            pltpu.VMEM_SHARED((NP, D), _F32),
            pltpu.SemaphoreType.DMA,
        ],
    )
    def k(m_hbm, idx_hbm, z_hbm, out_hbm, idx_v, rows_v, acc_sh, sem):
        cid = lax.axis_index("c")
        sid = lax.axis_index("s")
        wid = sid * NC + cid
        n_mine = jnp.where(cid == 0, C_EVEN, C_ODD)
        pltpu.sync_copy(idx_hbm.at[wid], idx_v)
        pltpu.sync_copy(z_hbm, acc_sh.at[pl.ds(sid * ROWS_PER_SUB, ROWS_PER_SUB)])
        plsc.subcore_barrier()

        @pl.loop(0, n_mine, step=2)
        def _(j):
            pltpu.async_copy(m_hbm.at[idx_v.at[0].at[j]], rows_v, sem).wait()
            pltpu.sync_copy(rows_v, acc_sh.at[idx_v.at[1].at[j]], add=True)
            pltpu.async_copy(m_hbm.at[idx_v.at[0].at[j + 1]], rows_v, sem).wait()
            pltpu.sync_copy(rows_v, acc_sh.at[idx_v.at[1].at[j + 1]], add=True)

        plsc.subcore_barrier()
        pltpu.sync_copy(
            acc_sh.at[pl.ds(sid * ROWS_PER_SUB, ROWS_PER_SUB)],
            out_hbm.at[cid].at[pl.ds(sid * ROWS_PER_SUB, ROWS_PER_SUB)])

    return k(m, idx4, zrows)



def _tc_layer(acc, h, wr, br, wt):
    def body(acc_ref, h_ref, wr_ref, br_ref, wt_ref, o_ref):
        agg = acc_ref[0] + acc_ref[1]
        o_ref[...] = jnp.maximum(
            _mm_t(agg, wr_ref[...]) + br_ref[...] + _mm_t(h_ref[...], wt_ref[...]),
            0.0)

    return pl.pallas_call(
        body,
        out_shape=jax.ShapeDtypeStruct((NP, D), _F32),
    )(acc, h, wr, br.reshape(1, D), wt)


def _tc_final(acc, h_in, wr, br, wt, batch_row, w1, b1, w2, b2):
    def body(acc_ref, h_ref, wr_ref, br_ref, wt_ref, b_ref,
             w1_ref, b1_ref, w2_ref, b2_ref, y_ref):
        agg = acc_ref[0] + acc_ref[1]
        h = jnp.maximum(
            _mm_t(agg, wr_ref[...]) + br_ref[...] + _mm_t(h_ref[...], wt_ref[...]),
            0.0)
        seg = b_ref[...]
        mask = (lax.broadcasted_iota(jnp.int32, (B, NP), 0) == seg)
        pooled = lax.dot_general(mask.astype(_F32), h,
                                 dimension_numbers=(((1,), (0,)), ((), ())),
                                 precision=lax.Precision.HIGHEST,
                                 preferred_element_type=_F32)
        t = jnp.maximum(_mm_t(pooled, w1_ref[...]) + b1_ref[...], 0.0)
        y_ref[...] = jnp.sum(t * w2_ref[...], axis=1, keepdims=True) + b2_ref[...]

    return pl.pallas_call(
        body,
        out_shape=jax.ShapeDtypeStruct((B, 1), _F32),
    )(acc, h_in, wr, br.reshape(1, D), wt, batch_row,
      w1, b1.reshape(1, D), w2, b2.reshape(1, 1))



def kernel(x, edge_index, batch,
           W_rel_0, b_rel_0, W_root_0,
           W_rel_1, b_rel_1, W_root_1,
           W_rel_2, b_rel_2, W_root_2,
           W1, b1, W2, b2):
    e = edge_index.shape[1]
    e_pad = NS * (C_EVEN + C_ODD) * CHUNK
    assert e_pad >= e

    src = edge_index[0].astype(jnp.int32)
    dst = edge_index[1].astype(jnp.int32)

    def to_workers(flat):
        chunks = flat.reshape(-1, CHUNK)
        a = chunks[:NS * C_EVEN].reshape(NS, C_EVEN, CHUNK)
        b = chunks[NS * C_EVEN:].reshape(NS, C_ODD, CHUNK)
        a = jnp.concatenate(
            [a, jnp.zeros((NS, MAXC - C_EVEN, CHUNK), jnp.int32)], axis=1)
        b = jnp.concatenate(
            [b, jnp.zeros((NS, MAXC - C_ODD, CHUNK), jnp.int32)], axis=1)
        return jnp.stack([a, b], axis=1).reshape(NW, MAXC, CHUNK)

    dst_pad = N + (jnp.arange(e_pad - e, dtype=jnp.int32) % (NP - N))
    src4 = to_workers(jnp.concatenate([src, jnp.zeros((e_pad - e,), jnp.int32)]))
    dst4 = to_workers(jnp.concatenate([dst, dst_pad]))
    idx4 = jnp.stack([src4, dst4], axis=1)
    batch_row = jnp.concatenate(
        [batch.astype(jnp.int32), jnp.full((NP - N,), B, jnp.int32)]
    ).reshape(1, NP)
    xp = jnp.concatenate([x, jnp.zeros((NP - N, D), _F32)], axis=0)
    zrows = jnp.zeros((ROWS_PER_SUB, D), _F32)

    acc = _sc_segment_sum(xp, idx4, zrows)
    h = _tc_layer(acc, xp, W_rel_0, b_rel_0, W_root_0)
    acc = _sc_segment_sum(h, idx4, zrows)
    h = _tc_layer(acc, h, W_rel_1, b_rel_1, W_root_1)
    acc = _sc_segment_sum(h, idx4, zrows)
    return _tc_final(acc, h, W_rel_2, b_rel_2, W_root_2,
                     batch_row, W1, b1, W2, b2)

# --- scband reference (transcript-rebuilt; emitter-appended) ---
"""Pipeline reference for scband-gnn-46273977647663 (READ-ONLY COPY).

The authoritative reference and input builder live on the scoring server;
editing this copy changes nothing except your own understanding.
"""

import jax, jax.numpy as jnp
import numpy as np

N = 10000
E = 320000
D = 128
H = 128
B = 64
OUT = 1


def setup_inputs(seed: int = 0) -> dict:
    key = jax.random.key(seed)
    ks = jax.random.split(key, 20)
    inp = {}
    inp["x"] = jax.random.normal(ks[0], (N, D), dtype=jnp.float32)
    inp["edge_index"] = jax.random.randint(ks[1], (2, E), 0, N, dtype=jnp.int64)
    inp["batch"] = jnp.sort(jax.random.randint(ks[2], (N,), 0, B, dtype=jnp.int64))
    # GraphConv params per layer: lin_rel (weight+bias) and lin_root (weight, no bias)
    in_dims = [D, H, H]
    for l in range(3):
        fan = in_dims[l]
        s = 1.0 / np.sqrt(fan)
        inp[f"W_rel_{l}"] = jax.random.uniform(ks[3 + 3 * l], (H, fan), minval=-s, maxval=s, dtype=jnp.float32)
        inp[f"b_rel_{l}"] = jax.random.uniform(ks[4 + 3 * l], (H,), minval=-s, maxval=s, dtype=jnp.float32)
        inp[f"W_root_{l}"] = jax.random.uniform(ks[5 + 3 * l], (H, fan), minval=-s, maxval=s, dtype=jnp.float32)
    s = 1.0 / np.sqrt(H)
    inp["W1"] = jax.random.uniform(ks[12], (H, H), minval=-s, maxval=s, dtype=jnp.float32)
    inp["b1"] = jax.random.uniform(ks[13], (H,), minval=-s, maxval=s, dtype=jnp.float32)
    inp["W2"] = jax.random.uniform(ks[14], (OUT, H), minval=-s, maxval=s, dtype=jnp.float32)
    inp["b2"] = jax.random.uniform(ks[15], (OUT,), minval=-s, maxval=s, dtype=jnp.float32)
    return inp


def _graph_conv(x, edge_index, W_rel, b_rel, W_root):
    # torch_geometric GraphConv with aggr='add':
    # out = lin_rel(sum_{j in N(i)} x_j) + lin_root(x_i)
    src = edge_index[0]
    dst = edge_index[1]
    msgs = jnp.take(x, src, axis=0)               # gather source node features
    agg = jax.ops.segment_sum(msgs, dst, num_segments=x.shape[0])  # scatter-add to dst
    return agg @ W_rel.T + b_rel + x @ W_root.T


def reference(x, edge_index, batch,
              W_rel_0, b_rel_0, W_root_0,
              W_rel_1, b_rel_1, W_root_1,
              W_rel_2, b_rel_2, W_root_2,
              W1, b1, W2, b2):
    h = x
    params = [(W_rel_0, b_rel_0, W_root_0), (W_rel_1, b_rel_1, W_root_1), (W_rel_2, b_rel_2, W_root_2)]
    for (Wr, br, Wt) in params:
        h = _graph_conv(h, edge_index, Wr, br, Wt)
        h = jax.nn.relu(h)
        # Dropout(p=0.0) in eval mode: identity
    # global_add_pool over batch assignment
    pooled = jax.ops.segment_sum(h, batch, num_segments=B)
    # graph_cls: Linear -> ReLU -> Linear
    y = jax.nn.relu(pooled @ W1.T + b1) @ W2.T + b2
    return y

if __name__ == "__main__":
    import jax
    _d = setup_inputs()
    print(jax.jit(kernel)(*tuple(_d.values())))

</pallas_src>

<mosaic_0001>
#map = affine_map<(d0, d1) -> (0, 0)>
#map1 = affine_map<(d0, d1) -> (0, 0, 0, 0)>
#map2 = affine_map<(d0, d1) -> (0, 0, 0)>
module attributes {stable_mosaic.version = 14 : i64} {
  func.func @k(%arg0: i32, %arg1: i32, %arg2: memref<10240x128xf32, #tpu.memory_space<hbm>>, %arg3: memref<32x2x96x128xi32, #tpu.memory_space<hbm>>, %arg4: memref<640x128xf32, #tpu.memory_space<hbm>>, %arg5: memref<2x10240x128xf32, #tpu.memory_space<hbm>>, %arg6: memref<2x96x128xi32, #tpu.memory_space<vmem>>, %arg7: memref<128x128xf32, #tpu.memory_space<vmem>>, %arg8: memref<10240x128xf32, #tpu.memory_space<vmem_shared>>, %arg9: memref<!tpu.dma_semaphore, #tpu.memory_space<semaphore_mem>>) attributes {dimension_semantics = [#tpu.dimension_semantics<core_parallel>, #tpu.dimension_semantics<subcore_parallel>], iteration_bounds = array<i64: 2, 16>, scalar_prefetch = 0 : i64, scratch_operands = 4 : i64, tpu.core_type = #tpu.core_type<sc_vector_subcore>, window_params = [{transform_indices = #map}, {transform_indices = #map1}, {transform_indices = #map}, {transform_indices = #map2}]} {
    %mul3A = arith.constant 2 : i32
    %mul3A_0 = arith.muli %arg1, %mul3A : i32
    %add3A = arith.addi %mul3A_0, %arg0 : i32
    %eq3A = arith.constant 0 : i32
    %eq3A_1 = arith.cmpi eq, %arg0, %eq3A : i32
    %jit3A = arith.constant 96 : i32
    %jit3A_2 = arith.constant 62 : i32
    %select_n3A = arith.select %eq3A_1, %jit3A, %jit3A_2 : i32
    "tpu.region"() ({
      %run_scoped3A = tpu.sem_alloc : memref<!tpu.dma_semaphore, #tpu.memory_space<semaphore_mem>>
      %dma_start3A = arith.constant 0 : i32
      %dma_start3A_26 = arith.constant 0 : i32
      %dma_start3A_27 = arith.constant 0 : i32
      %dma_start3A_28 = tpu.memref_slice %arg3[%add3A, %dma_start3A, %dma_start3A_26, %dma_start3A_27] : memref<32x2x96x128xi32, #tpu.memory_space<hbm>> -> memref<1x2x96x128xi32, #tpu.memory_space<hbm>>
      %dma_start3A_29 = tpu.memref_squeeze %dma_start3A_28 : memref<1x2x96x128xi32, #tpu.memory_space<hbm>> -> memref<2x96x128xi32, #tpu.memory_space<hbm>>
      %dma_start3A_30 = arith.constant 0 : i32
      %dma_start3A_31 = arith.constant 0 : i32
      %dma_start3A_32 = arith.constant 0 : i32
      %dma_start3A_33 = tpu.memref_slice %arg3[%add3A, %dma_start3A_30, %dma_start3A_31, %dma_start3A_32] : memref<32x2x96x128xi32, #tpu.memory_space<hbm>> -> memref<1x2x96x128xi32, #tpu.memory_space<hbm>>
      %dma_start3A_34 = tpu.memref_squeeze %dma_start3A_33 : memref<1x2x96x128xi32, #tpu.memory_space<hbm>> -> memref<2x96x128xi32, #tpu.memory_space<hbm>>
      tpu.enqueue_dma source(%dma_start3A_34 : memref<2x96x128xi32, #tpu.memory_space<hbm>>) target(%arg6 : memref<2x96x128xi32, #tpu.memory_space<vmem>>) target_semaphore(%run_scoped3A : memref<!tpu.dma_semaphore, #tpu.memory_space<semaphore_mem>>)
      %dma_wait3A = arith.constant 0 : i32
      %dma_wait3A_35 = arith.constant 0 : i32
      %dma_wait3A_36 = arith.constant 0 : i32
      %dma_wait3A_37 = tpu.memref_slice %arg3[%add3A, %dma_wait3A, %dma_wait3A_35, %dma_wait3A_36] : memref<32x2x96x128xi32, #tpu.memory_space<hbm>> -> memref<1x2x96x128xi32, #tpu.memory_space<hbm>>
      %dma_wait3A_38 = tpu.memref_squeeze %dma_wait3A_37 : memref<1x2x96x128xi32, #tpu.memory_space<hbm>> -> memref<2x96x128xi32, #tpu.memory_space<hbm>>
      %dma_wait3A_39 = arith.constant 0 : i32
      %dma_wait3A_40 = arith.constant 0 : i32
      %dma_wait3A_41 = arith.constant 0 : i32
      %dma_wait3A_42 = tpu.memref_slice %arg3[%add3A, %dma_wait3A_39, %dma_wait3A_40, %dma_wait3A_41] : memref<32x2x96x128xi32, #tpu.memory_space<hbm>> -> memref<1x2x96x128xi32, #tpu.memory_space<hbm>>
      %dma_wait3A_43 = tpu.memref_squeeze %dma_wait3A_42 : memref<1x2x96x128xi32, #tpu.memory_space<hbm>> -> memref<2x96x128xi32, #tpu.memory_space<hbm>>
      tpu.wait_dma2 semaphore(%run_scoped3A : memref<!tpu.dma_semaphore, #tpu.memory_space<semaphore_mem>>) src(%dma_wait3A_43 : memref<2x96x128xi32, #tpu.memory_space<hbm>>) dst(%arg6 : memref<2x96x128xi32, #tpu.memory_space<vmem>>)
      tpu.yield
    }) : () -> ()
    %mul3A_3 = arith.constant 640 : i32
    %mul3A_4 = arith.muli %arg1, %mul3A_3 : i32
    "tpu.region"() ({
      %run_scoped3A = tpu.sem_alloc : memref<!tpu.dma_semaphore, #tpu.memory_space<semaphore_mem>>
      %dma_start3A = arith.constant 0 : i32
      %dma_start3A_26 = tpu.memref_slice %arg8[%mul3A_4, %dma_start3A] : memref<10240x128xf32, #tpu.memory_space<vmem_shared>> -> memref<640x128xf32, #tpu.memory_space<vmem_shared>>
      tpu.enqueue_dma source(%arg4 : memref<640x128xf32, #tpu.memory_space<hbm>>) target(%dma_start3A_26 : memref<640x128xf32, #tpu.memory_space<vmem_shared>>) target_semaphore(%run_scoped3A : memref<!tpu.dma_semaphore, #tpu.memory_space<semaphore_mem>>)
      %dma_wait3A = arith.constant 0 : i32
      %dma_wait3A_27 = tpu.memref_slice %arg8[%mul3A_4, %dma_wait3A] : memref<10240x128xf32, #tpu.memory_space<vmem_shared>> -> memref<640x128xf32, #tpu.memory_space<vmem_shared>>
      tpu.wait_dma2 semaphore(%run_scoped3A : memref<!tpu.dma_semaphore, #tpu.memory_space<semaphore_mem>>) src(%arg4 : memref<640x128xf32, #tpu.memory_space<hbm>>) dst(%dma_wait3A_27 : memref<640x128xf32, #tpu.memory_space<vmem_shared>>)
      tpu.yield
    }) : () -> ()
    %barrier3A = arith.constant 0 : index
    tpu.barrier barrier_id(%barrier3A)
    %sub3A = arith.constant 0 : i32
    %sub3A_5 = arith.subi %select_n3A, %sub3A : i32
    %sub3A_6 = arith.constant 2 : i32
    %sub3A_7 = arith.constant 1 : i32
    %sub3A_8 = arith.subi %sub3A_6, %sub3A_7 : i32
    %add3A_9 = arith.addi %sub3A_5, %sub3A_8 : i32
    %div3A = arith.constant 2 : i32
    %div3A_10 = arith.divsi %add3A_9, %div3A : i32
    %while3A = arith.constant 2 : i32
    %while3A_11 = arith.constant 0 : i32
    %while3A_12 = arith.constant 0 : i32
    %while3A_13 = arith.subi %div3A_10, %while3A_12 : i32
    %while3A_14 = arith.addi %while3A_12, %while3A_13 : i32
    %while3A_15 = arith.constant 1 : i32
    %while3A_16 = arith.divsi %while3A_13, %while3A_15 : i32
    %while3A_17 = arith.muli %while3A_16, %while3A_15 : i32
    %while3A_18 = arith.addi %while3A_12, %while3A_17 : i32
    %while3A_19 = arith.constant 1 : i32
    scf.for %while3A_26 = %while3A_12 to %while3A_18 step %while3A_19  : i32 {
      %mul3A_27 = arith.muli %while3A_26, %while3A : i32
      %add3A_28 = arith.addi %while3A_11, %mul3A_27 : i32
      %dma_start3A = arith.constant 0 : i32
      %dma_start3A_29 = arith.constant 0 : i32
      %dma_start3A_30 = arith.constant 0 : i32
      %dma_start3A_31 = tpu.memref_slice %arg6[%dma_start3A, %dma_start3A_29, %dma_start3A_30] : memref<2x96x128xi32, #tpu.memory_space<vmem>> -> memref<1x96x128xi32, #tpu.memory_space<vmem>>
      %dma_start3A_32 = tpu.memref_squeeze %dma_start3A_31 : memref<1x96x128xi32, #tpu.memory_space<vmem>> -> memref<96x128xi32, #tpu.memory_space<vmem>>
      %dma_start3A_33 = arith.constant 0 : i32
      %dma_start3A_34 = tpu.memref_slice %dma_start3A_32[%add3A_28, %dma_start3A_33] : memref<96x128xi32, #tpu.memory_space<vmem>> -> memref<1x128xi32, #tpu.memory_space<vmem>>
      %dma_start3A_35 = tpu.memref_squeeze %dma_start3A_34 : memref<1x128xi32, #tpu.memory_space<vmem>> -> memref<128xi32, #tpu.memory_space<vmem>>
      %dma_start3A_36 = arith.constant 0 : i32
      %dma_start3A_37 = arith.constant 0 : i32
      %dma_start3A_38 = tpu.memref_slice %arg2[%dma_start3A_36, %dma_start3A_37] : memref<10240x128xf32, #tpu.memory_space<hbm>> -> memref<10240x128xf32, #tpu.memory_space<hbm>>
      tpu.enqueue_indirect_dma source(%dma_start3A_38 : memref<10240x128xf32, #tpu.memory_space<hbm>>) target(%arg7 : memref<128x128xf32, #tpu.memory_space<vmem>>) offsets(%dma_start3A_35 : memref<128xi32, #tpu.memory_space<vmem>>) semaphore(%arg9 : memref<!tpu.dma_semaphore, #tpu.memory_space<semaphore_mem>>)
      %dma_wait3A = arith.constant 0 : i32
      %dma_wait3A_39 = arith.constant 0 : i32
      %dma_wait3A_40 = arith.constant 0 : i32
      %dma_wait3A_41 = tpu.memref_slice %arg6[%dma_wait3A, %dma_wait3A_39, %dma_wait3A_40] : memref<2x96x128xi32, #tpu.memory_space<vmem>> -> memref<1x96x128xi32, #tpu.memory_space<vmem>>
      %dma_wait3A_42 = tpu.memref_squeeze %dma_wait3A_41 : memref<1x96x128xi32, #tpu.memory_space<vmem>> -> memref<96x128xi32, #tpu.memory_space<vmem>>
      %dma_wait3A_43 = arith.constant 0 : i32
      %dma_wait3A_44 = tpu.memref_slice %dma_wait3A_42[%add3A_28, %dma_wait3A_43] : memref<96x128xi32, #tpu.memory_space<vmem>> -> memref<1x128xi32, #tpu.memory_space<vmem>>
      %dma_wait3A_45 = tpu.memref_squeeze %dma_wait3A_44 : memref<1x128xi32, #tpu.memory_space<vmem>> -> memref<128xi32, #tpu.memory_space<vmem>>
      %dma_wait3A_46 = arith.constant 0 : i32
      %dma_wait3A_47 = arith.constant 0 : i32
      %dma_wait3A_48 = tpu.memref_slice %arg2[%dma_wait3A_46, %dma_wait3A_47] : memref<10240x128xf32, #tpu.memory_space<hbm>> -> memref<10240x128xf32, #tpu.memory_space<hbm>>
      tpu.wait_indirect_dma semaphore(%arg9 : memref<!tpu.dma_semaphore, #tpu.memory_space<semaphore_mem>>) src(%dma_wait3A_48 : memref<10240x128xf32, #tpu.memory_space<hbm>>) dst(%arg7 : memref<128x128xf32, #tpu.memory_space<vmem>>)
      %run_scoped3A = arith.constant 1 : i32
      "tpu.region"() ({
        %run_scoped3A_76 = tpu.sem_alloc : memref<!tpu.dma_semaphore, #tpu.memory_space<semaphore_mem>>
        %dma_start3A_77 = arith.constant 0 : i32
        %dma_start3A_78 = arith.constant 0 : i32
        %dma_start3A_79 = tpu.memref_slice %arg6[%run_scoped3A, %dma_start3A_77, %dma_start3A_78] : memref<2x96x128xi32, #tpu.memory_space<vmem>> -> memref<1x96x128xi32, #tpu.memory_space<vmem>>
        %dma_start3A_80 = tpu.memref_squeeze %dma_start3A_79 : memref<1x96x128xi32, #tpu.memory_space<vmem>> -> memref<96x128xi32, #tpu.memory_space<vmem>>
        %dma_start3A_81 = arith.constant 0 : i32
        %dma_start3A_82 = tpu.memref_slice %dma_start3A_80[%add3A_28, %dma_start3A_81] : memref<96x128xi32, #tpu.memory_space<vmem>> -> memref<1x128xi32, #tpu.memory_space<vmem>>
        %dma_start3A_83 = tpu.memref_squeeze %dma_start3A_82 : memref<1x128xi32, #tpu.memory_space<vmem>> -> memref<128xi32, #tpu.memory_space<vmem>>
        %dma_start3A_84 = arith.constant 0 : i32
        %dma_start3A_85 = arith.constant 0 : i32
        %dma_start3A_86 = tpu.memref_slice %arg8[%dma_start3A_84, %dma_start3A_85] : memref<10240x128xf32, #tpu.memory_space<vmem_shared>> -> memref<10240x128xf32, #tpu.memory_space<vmem_shared>>
        tpu.enqueue_indirect_dma source(%arg7 : memref<128x128xf32, #tpu.memory_space<vmem>>) target(%dma_start3A_86 : memref<10240x128xf32, #tpu.memory_space<vmem_shared>>) offsets(%dma_start3A_83 : memref<128xi32, #tpu.memory_space<vmem>>) semaphore(%run_scoped3A_76 : memref<!tpu.dma_semaphore, #tpu.memory_space<semaphore_mem>>) {add = true}
        %dma_wait3A_87 = arith.constant 0 : i32
        %dma_wait3A_88 = arith.constant 0 : i32
        %dma_wait3A_89 = tpu.memref_slice %arg6[%run_scoped3A, %dma_wait3A_87, %dma_wait3A_88] : memref<2x96x128xi32, #tpu.memory_space<vmem>> -> memref<1x96x128xi32, #tpu.memory_space<vmem>>
        %dma_wait3A_90 = tpu.memref_squeeze %dma_wait3A_89 : memref<1x96x128xi32, #tpu.memory_space<vmem>> -> memref<96x128xi32, #tpu.memory_space<vmem>>
        %dma_wait3A_91 = arith.constant 0 : i32
        %dma_wait3A_92 = tpu.memref_slice %dma_wait3A_90[%add3A_28, %dma_wait3A_91] : memref<96x128xi32, #tpu.memory_space<vmem>> -> memref<1x128xi32, #tpu.memory_space<vmem>>
        %dma_wait3A_93 = tpu.memref_squeeze %dma_wait3A_92 : memref<1x128xi32, #tpu.memory_space<vmem>> -> memref<128xi32, #tpu.memory_space<vmem>>
        %dma_wait3A_94 = arith.constant 0 : i32
        %dma_wait3A_95 = arith.constant 0 : i32
        %dma_wait3A_96 = tpu.memref_slice %arg8[%dma_wait3A_94, %dma_wait3A_95] : memref<10240x128xf32, #tpu.memory_space<vmem_shared>> -> memref<10240x128xf32, #tpu.memory_space<vmem_shared>>
        tpu.wait_indirect_dma semaphore(%run_scoped3A_76 : memref<!tpu.dma_semaphore, #tpu.memory_space<semaphore_mem>>) src(%arg7 : memref<128x128xf32, #tpu.memory_space<vmem>>) dst(%dma_wait3A_96 : memref<10240x128xf32, #tpu.memory_space<vmem_shared>>)
        tpu.yield
      }) : () -> ()
      %add3A_49 = arith.constant 1 : i32
      %add3A_50 = arith.addi %add3A_28, %add3A_49 : i32
      %dma_start3A_51 = arith.constant 0 : i32
      %dma_start3A_52 = arith.constant 0 : i32
      %dma_start3A_53 = arith.constant 0 : i32
      %dma_start3A_54 = tpu.memref_slice %arg6[%dma_start3A_51, %dma_start3A_52, %dma_start3A_53] : memref<2x96x128xi32, #tpu.memory_space<vmem>> -> memref<1x96x128xi32, #tpu.memory_space<vmem>>
      %dma_start3A_55 = tpu.memref_squeeze %dma_start3A_54 : memref<1x96x128xi32, #tpu.memory_space<vmem>> -> memref<96x128xi32, #tpu.memory_space<vmem>>
      %dma_start3A_56 = arith.constant 0 : i32
      %dma_start3A_57 = tpu.memref_slice %dma_start3A_55[%add3A_50, %dma_start3A_56] : memref<96x128xi32, #tpu.memory_space<vmem>> -> memref<1x128xi32, #tpu.memory_space<vmem>>
      %dma_start3A_58 = tpu.memref_squeeze %dma_start3A_57 : memref<1x128xi32, #tpu.memory_space<vmem>> -> memref<128xi32, #tpu.memory_space<vmem>>
      %dma_start3A_59 = arith.constant 0 : i32
      %dma_start3A_60 = arith.constant 0 : i32
      %dma_start3A_61 = tpu.memref_slice %arg2[%dma_start3A_59, %dma_start3A_60] : memref<10240x128xf32, #tpu.memory_space<hbm>> -> memref<10240x128xf32, #tpu.memory_space<hbm>>
      tpu.enqueue_indirect_dma source(%dma_start3A_61 : memref<10240x128xf32, #tpu.memory_space<hbm>>) target(%arg7 : memref<128x128xf32, #tpu.memory_space<vmem>>) offsets(%dma_start3A_58 : memref<128xi32, #tpu.memory_space<vmem>>) semaphore(%arg9 : memref<!tpu.dma_semaphore, #tpu.memory_space<semaphore_mem>>)
      %dma_wait3A_62 = arith.constant 0 : i32
      %dma_wait3A_63 = arith.constant 0 : i32
      %dma_wait3A_64 = arith.constant 0 : i32
      %dma_wait3A_65 = tpu.memref_slice %arg6[%dma_wait3A_62, %dma_wait3A_63, %dma_wait3A_64] : memref<2x96x128xi32, #tpu.memory_space<vmem>> -> memref<1x96x128xi32, #tpu.memory_space<vmem>>
      %dma_wait3A_66 = tpu.memref_squeeze %dma_wait3A_65 : memref<1x96x128xi32, #tpu.memory_space<vmem>> -> memref<96x128xi32, #tpu.memory_space<vmem>>
      %dma_wait3A_67 = arith.constant 0 : i32
      %dma_wait3A_68 = tpu.memref_slice %dma_wait3A_66[%add3A_50, %dma_wait3A_67] : memref<96x128xi32, #tpu.memory_space<vmem>> -> memref<1x128xi32, #tpu.memory_space<vmem>>
      %dma_wait3A_69 = tpu.memref_squeeze %dma_wait3A_68 : memref<1x128xi32, #tpu.memory_space<vmem>> -> memref<128xi32, #tpu.memory_space<vmem>>
      %dma_wait3A_70 = arith.constant 0 : i32
      %dma_wait3A_71 = arith.constant 0 : i32
      %dma_wait3A_72 = tpu.memref_slice %arg2[%dma_wait3A_70, %dma_wait3A_71] : memref<10240x128xf32, #tpu.memory_space<hbm>> -> memref<10240x128xf32, #tpu.memory_space<hbm>>
      tpu.wait_indirect_dma semaphore(%arg9 : memref<!tpu.dma_semaphore, #tpu.memory_space<semaphore_mem>>) src(%dma_wait3A_72 : memref<10240x128xf32, #tpu.memory_space<hbm>>) dst(%arg7 : memref<128x128xf32, #tpu.memory_space<vmem>>)
      %add3A_73 = arith.constant 1 : i32
      %add3A_74 = arith.addi %add3A_28, %add3A_73 : i32
      %run_scoped3A_75 = arith.constant 1 : i32
      "tpu.region"() ({
        %run_scoped3A_76 = tpu.sem_alloc : memref<!tpu.dma_semaphore, #tpu.memory_space<semaphore_mem>>
        %dma_start3A_77 = arith.constant 0 : i32
        %dma_start3A_78 = arith.constant 0 : i32
        %dma_start3A_79 = tpu.memref_slice %arg6[%run_scoped3A_75, %dma_start3A_77, %dma_start3A_78] : memref<2x96x128xi32, #tpu.memory_space<vmem>> -> memref<1x96x128xi32, #tpu.memory_space<vmem>>
        %dma_start3A_80 = tpu.memref_squeeze %dma_start3A_79 : memref<1x96x128xi32, #tpu.memory_space<vmem>> -> memref<96x128xi32, #tpu.memory_space<vmem>>
        %dma_start3A_81 = arith.constant 0 : i32
        %dma_start3A_82 = tpu.memref_slice %dma_start3A_80[%add3A_74, %dma_start3A_81] : memref<96x128xi32, #tpu.memory_space<vmem>> -> memref<1x128xi32, #tpu.memory_space<vmem>>
        %dma_start3A_83 = tpu.memref_squeeze %dma_start3A_82 : memref<1x128xi32, #tpu.memory_space<vmem>> -> memref<128xi32, #tpu.memory_space<vmem>>
        %dma_start3A_84 = arith.constant 0 : i32
        %dma_start3A_85 = arith.constant 0 : i32
        %dma_start3A_86 = tpu.memref_slice %arg8[%dma_start3A_84, %dma_start3A_85] : memref<10240x128xf32, #tpu.memory_space<vmem_shared>> -> memref<10240x128xf32, #tpu.memory_space<vmem_shared>>
        tpu.enqueue_indirect_dma source(%arg7 : memref<128x128xf32, #tpu.memory_space<vmem>>) target(%dma_start3A_86 : memref<10240x128xf32, #tpu.memory_space<vmem_shared>>) offsets(%dma_start3A_83 : memref<128xi32, #tpu.memory_space<vmem>>) semaphore(%run_scoped3A_76 : memref<!tpu.dma_semaphore, #tpu.memory_space<semaphore_mem>>) {add = true}
        %dma_wait3A_87 = arith.constant 0 : i32
        %dma_wait3A_88 = arith.constant 0 : i32
        %dma_wait3A_89 = tpu.memref_slice %arg6[%run_scoped3A_75, %dma_wait3A_87, %dma_wait3A_88] : memref<2x96x128xi32, #tpu.memory_space<vmem>> -> memref<1x96x128xi32, #tpu.memory_space<vmem>>
        %dma_wait3A_90 = tpu.memref_squeeze %dma_wait3A_89 : memref<1x96x128xi32, #tpu.memory_space<vmem>> -> memref<96x128xi32, #tpu.memory_space<vmem>>
        %dma_wait3A_91 = arith.constant 0 : i32
        %dma_wait3A_92 = tpu.memref_slice %dma_wait3A_90[%add3A_74, %dma_wait3A_91] : memref<96x128xi32, #tpu.memory_space<vmem>> -> memref<1x128xi32, #tpu.memory_space<vmem>>
        %dma_wait3A_93 = tpu.memref_squeeze %dma_wait3A_92 : memref<1x128xi32, #tpu.memory_space<vmem>> -> memref<128xi32, #tpu.memory_space<vmem>>
        %dma_wait3A_94 = arith.constant 0 : i32
        %dma_wait3A_95 = arith.constant 0 : i32
        %dma_wait3A_96 = tpu.memref_slice %arg8[%dma_wait3A_94, %dma_wait3A_95] : memref<10240x128xf32, #tpu.memory_space<vmem_shared>> -> memref<10240x128xf32, #tpu.memory_space<vmem_shared>>
        tpu.wait_indirect_dma semaphore(%run_scoped3A_76 : memref<!tpu.dma_semaphore, #tpu.memory_space<semaphore_mem>>) src(%arg7 : memref<128x128xf32, #tpu.memory_space<vmem>>) dst(%dma_wait3A_96 : memref<10240x128xf32, #tpu.memory_space<vmem_shared>>)
        tpu.yield
      }) : () -> ()
    }
    %while3A_20 = arith.constant 1 : i32
    scf.for %while3A_26 = %while3A_18 to %while3A_14 step %while3A_20  : i32 {
      %mul3A_27 = arith.muli %while3A_26, %while3A : i32
      %add3A_28 = arith.addi %while3A_11, %mul3A_27 : i32
      %dma_start3A = arith.constant 0 : i32
      %dma_start3A_29 = arith.constant 0 : i32
      %dma_start3A_30 = arith.constant 0 : i32
      %dma_start3A_31 = tpu.memref_slice %arg6[%dma_start3A, %dma_start3A_29, %dma_start3A_30] : memref<2x96x128xi32, #tpu.memory_space<vmem>> -> memref<1x96x128xi32, #tpu.memory_space<vmem>>
      %dma_start3A_32 = tpu.memref_squeeze %dma_start3A_31 : memref<1x96x128xi32, #tpu.memory_space<vmem>> -> memref<96x128xi32, #tpu.memory_space<vmem>>
      %dma_start3A_33 = arith.constant 0 : i32
      %dma_start3A_34 = tpu.memref_slice %dma_start3A_32[%add3A_28, %dma_start3A_33] : memref<96x128xi32, #tpu.memory_space<vmem>> -> memref<1x128xi32, #tpu.memory_space<vmem>>
      %dma_start3A_35 = tpu.memref_squeeze %dma_start3A_34 : memref<1x128xi32, #tpu.memory_space<vmem>> -> memref<128xi32, #tpu.memory_space<vmem>>
      %dma_start3A_36 = arith.constant 0 : i32
      %dma_start3A_37 = arith.constant 0 : i32
      %dma_start3A_38 = tpu.memref_slice %arg2[%dma_start3A_36, %dma_start3A_37] : memref<10240x128xf32, #tpu.memory_space<hbm>> -> memref<10240x128xf32, #tpu.memory_space<hbm>>
      tpu.enqueue_indirect_dma source(%dma_start3A_38 : memref<10240x128xf32, #tpu.memory_space<hbm>>) target(%arg7 : memref<128x128xf32, #tpu.memory_space<vmem>>) offsets(%dma_start3A_35 : memref<128xi32, #tpu.memory_space<vmem>>) semaphore(%arg9 : memref<!tpu.dma_semaphore, #tpu.memory_space<semaphore_mem>>)
      %dma_wait3A = arith.constant 0 : i32
      %dma_wait3A_39 = arith.constant 0 : i32
      %dma_wait3A_40 = arith.constant 0 : i32
      %dma_wait3A_41 = tpu.memref_slice %arg6[%dma_wait3A, %dma_wait3A_39, %dma_wait3A_40] : memref<2x96x128xi32, #tpu.memory_space<vmem>> -> memref<1x96x128xi32, #tpu.memory_space<vmem>>
      %dma_wait3A_42 = tpu.memref_squeeze %dma_wait3A_41 : memref<1x96x128xi32, #tpu.memory_space<vmem>> -> memref<96x128xi32, #tpu.memory_space<vmem>>
      %dma_wait3A_43 = arith.constant 0 : i32
      %dma_wait3A_44 = tpu.memref_slice %dma_wait3A_42[%add3A_28, %dma_wait3A_43] : memref<96x128xi32, #tpu.memory_space<vmem>> -> memref<1x128xi32, #tpu.memory_space<vmem>>
      %dma_wait3A_45 = tpu.memref_squeeze %dma_wait3A_44 : memref<1x128xi32, #tpu.memory_space<vmem>> -> memref<128xi32, #tpu.memory_space<vmem>>
      %dma_wait3A_46 = arith.constant 0 : i32
      %dma_wait3A_47 = arith.constant 0 : i32
      %dma_wait3A_48 = tpu.memref_slice %arg2[%dma_wait3A_46, %dma_wait3A_47] : memref<10240x128xf32, #tpu.memory_space<hbm>> -> memref<10240x128xf32, #tpu.memory_space<hbm>>
      tpu.wait_indirect_dma semaphore(%arg9 : memref<!tpu.dma_semaphore, #tpu.memory_space<semaphore_mem>>) src(%dma_wait3A_48 : memref<10240x128xf32, #tpu.memory_space<hbm>>) dst(%arg7 : memref<128x128xf32, #tpu.memory_space<vmem>>)
      %run_scoped3A = arith.constant 1 : i32
      "tpu.region"() ({
        %run_scoped3A_76 = tpu.sem_alloc : memref<!tpu.dma_semaphore, #tpu.memory_space<semaphore_mem>>
        %dma_start3A_77 = arith.constant 0 : i32
        %dma_start3A_78 = arith.constant 0 : i32
        %dma_start3A_79 = tpu.memref_slice %arg6[%run_scoped3A, %dma_start3A_77, %dma_start3A_78] : memref<2x96x128xi32, #tpu.memory_space<vmem>> -> memref<1x96x128xi32, #tpu.memory_space<vmem>>
        %dma_start3A_80 = tpu.memref_squeeze %dma_start3A_79 : memref<1x96x128xi32, #tpu.memory_space<vmem>> -> memref<96x128xi32, #tpu.memory_space<vmem>>
        %dma_start3A_81 = arith.constant 0 : i32
        %dma_start3A_82 = tpu.memref_slice %dma_start3A_80[%add3A_28, %dma_start3A_81] : memref<96x128xi32, #tpu.memory_space<vmem>> -> memref<1x128xi32, #tpu.memory_space<vmem>>
        %dma_start3A_83 = tpu.memref_squeeze %dma_start3A_82 : memref<1x128xi32, #tpu.memory_space<vmem>> -> memref<128xi32, #tpu.memory_space<vmem>>
        %dma_start3A_84 = arith.constant 0 : i32
        %dma_start3A_85 = arith.constant 0 : i32
        %dma_start3A_86 = tpu.memref_slice %arg8[%dma_start3A_84, %dma_start3A_85] : memref<10240x128xf32, #tpu.memory_space<vmem_shared>> -> memref<10240x128xf32, #tpu.memory_space<vmem_shared>>
        tpu.enqueue_indirect_dma source(%arg7 : memref<128x128xf32, #tpu.memory_space<vmem>>) target(%dma_start3A_86 : memref<10240x128xf32, #tpu.memory_space<vmem_shared>>) offsets(%dma_start3A_83 : memref<128xi32, #tpu.memory_space<vmem>>) semaphore(%run_scoped3A_76 : memref<!tpu.dma_semaphore, #tpu.memory_space<semaphore_mem>>) {add = true}
        %dma_wait3A_87 = arith.constant 0 : i32
        %dma_wait3A_88 = arith.constant 0 : i32
        %dma_wait3A_89 = tpu.memref_slice %arg6[%run_scoped3A, %dma_wait3A_87, %dma_wait3A_88] : memref<2x96x128xi32, #tpu.memory_space<vmem>> -> memref<1x96x128xi32, #tpu.memory_space<vmem>>
        %dma_wait3A_90 = tpu.memref_squeeze %dma_wait3A_89 : memref<1x96x128xi32, #tpu.memory_space<vmem>> -> memref<96x128xi32, #tpu.memory_space<vmem>>
        %dma_wait3A_91 = arith.constant 0 : i32
        %dma_wait3A_92 = tpu.memref_slice %dma_wait3A_90[%add3A_28, %dma_wait3A_91] : memref<96x128xi32, #tpu.memory_space<vmem>> -> memref<1x128xi32, #tpu.memory_space<vmem>>
        %dma_wait3A_93 = tpu.memref_squeeze %dma_wait3A_92 : memref<1x128xi32, #tpu.memory_space<vmem>> -> memref<128xi32, #tpu.memory_space<vmem>>
        %dma_wait3A_94 = arith.constant 0 : i32
        %dma_wait3A_95 = arith.constant 0 : i32
        %dma_wait3A_96 = tpu.memref_slice %arg8[%dma_wait3A_94, %dma_wait3A_95] : memref<10240x128xf32, #tpu.memory_space<vmem_shared>> -> memref<10240x128xf32, #tpu.memory_space<vmem_shared>>
        tpu.wait_indirect_dma semaphore(%run_scoped3A_76 : memref<!tpu.dma_semaphore, #tpu.memory_space<semaphore_mem>>) src(%arg7 : memref<128x128xf32, #tpu.memory_space<vmem>>) dst(%dma_wait3A_96 : memref<10240x128xf32, #tpu.memory_space<vmem_shared>>)
        tpu.yield
      }) : () -> ()
      %add3A_49 = arith.constant 1 : i32
      %add3A_50 = arith.addi %add3A_28, %add3A_49 : i32
      %dma_start3A_51 = arith.constant 0 : i32
      %dma_start3A_52 = arith.constant 0 : i32
      %dma_start3A_53 = arith.constant 0 : i32
      %dma_start3A_54 = tpu.memref_slice %arg6[%dma_start3A_51, %dma_start3A_52, %dma_start3A_53] : memref<2x96x128xi32, #tpu.memory_space<vmem>> -> memref<1x96x128xi32, #tpu.memory_space<vmem>>
      %dma_start3A_55 = tpu.memref_squeeze %dma_start3A_54 : memref<1x96x128xi32, #tpu.memory_space<vmem>> -> memref<96x128xi32, #tpu.memory_space<vmem>>
      %dma_start3A_56 = arith.constant 0 : i32
      %dma_start3A_57 = tpu.memref_slice %dma_start3A_55[%add3A_50, %dma_start3A_56] : memref<96x128xi32, #tpu.memory_space<vmem>> -> memref<1x128xi32, #tpu.memory_space<vmem>>
      %dma_start3A_58 = tpu.memref_squeeze %dma_start3A_57 : memref<1x128xi32, #tpu.memory_space<vmem>> -> memref<128xi32, #tpu.memory_space<vmem>>
      %dma_start3A_59 = arith.constant 0 : i32
      %dma_start3A_60 = arith.constant 0 : i32
      %dma_start3A_61 = tpu.memref_slice %arg2[%dma_start3A_59, %dma_start3A_60] : memref<10240x128xf32, #tpu.memory_space<hbm>> -> memref<10240x128xf32, #tpu.memory_space<hbm>>
      tpu.enqueue_indirect_dma source(%dma_start3A_61 : memref<10240x128xf32, #tpu.memory_space<hbm>>) target(%arg7 : memref<128x128xf32, #tpu.memory_space<vmem>>) offsets(%dma_start3A_58 : memref<128xi32, #tpu.memory_space<vmem>>) semaphore(%arg9 : memref<!tpu.dma_semaphore, #tpu.memory_space<semaphore_mem>>)
      %dma_wait3A_62 = arith.constant 0 : i32
      %dma_wait3A_63 = arith.constant 0 : i32
      %dma_wait3A_64 = arith.constant 0 : i32
      %dma_wait3A_65 = tpu.memref_slice %arg6[%dma_wait3A_62, %dma_wait3A_63, %dma_wait3A_64] : memref<2x96x128xi32, #tpu.memory_space<vmem>> -> memref<1x96x128xi32, #tpu.memory_space<vmem>>
      %dma_wait3A_66 = tpu.memref_squeeze %dma_wait3A_65 : memref<1x96x128xi32, #tpu.memory_space<vmem>> -> memref<96x128xi32, #tpu.memory_space<vmem>>
      %dma_wait3A_67 = arith.constant 0 : i32
      %dma_wait3A_68 = tpu.memref_slice %dma_wait3A_66[%add3A_50, %dma_wait3A_67] : memref<96x128xi32, #tpu.memory_space<vmem>> -> memref<1x128xi32, #tpu.memory_space<vmem>>
      %dma_wait3A_69 = tpu.memref_squeeze %dma_wait3A_68 : memref<1x128xi32, #tpu.memory_space<vmem>> -> memref<128xi32, #tpu.memory_space<vmem>>
      %dma_wait3A_70 = arith.constant 0 : i32
      %dma_wait3A_71 = arith.constant 0 : i32
      %dma_wait3A_72 = tpu.memref_slice %arg2[%dma_wait3A_70, %dma_wait3A_71] : memref<10240x128xf32, #tpu.memory_space<hbm>> -> memref<10240x128xf32, #tpu.memory_space<hbm>>
      tpu.wait_indirect_dma semaphore(%arg9 : memref<!tpu.dma_semaphore, #tpu.memory_space<semaphore_mem>>) src(%dma_wait3A_72 : memref<10240x128xf32, #tpu.memory_space<hbm>>) dst(%arg7 : memref<128x128xf32, #tpu.memory_space<vmem>>)
      %add3A_73 = arith.constant 1 : i32
      %add3A_74 = arith.addi %add3A_28, %add3A_73 : i32
      %run_scoped3A_75 = arith.constant 1 : i32
      "tpu.region"() ({
        %run_scoped3A_76 = tpu.sem_alloc : memref<!tpu.dma_semaphore, #tpu.memory_space<semaphore_mem>>
        %dma_start3A_77 = arith.constant 0 : i32
        %dma_start3A_78 = arith.constant 0 : i32
        %dma_start3A_79 = tpu.memref_slice %arg6[%run_scoped3A_75, %dma_start3A_77, %dma_start3A_78] : memref<2x96x128xi32, #tpu.memory_space<vmem>> -> memref<1x96x128xi32, #tpu.memory_space<vmem>>
        %dma_start3A_80 = tpu.memref_squeeze %dma_start3A_79 : memref<1x96x128xi32, #tpu.memory_space<vmem>> -> memref<96x128xi32, #tpu.memory_space<vmem>>
        %dma_start3A_81 = arith.constant 0 : i32
        %dma_start3A_82 = tpu.memref_slice %dma_start3A_80[%add3A_74, %dma_start3A_81] : memref<96x128xi32, #tpu.memory_space<vmem>> -> memref<1x128xi32, #tpu.memory_space<vmem>>
        %dma_start3A_83 = tpu.memref_squeeze %dma_start3A_82 : memref<1x128xi32, #tpu.memory_space<vmem>> -> memref<128xi32, #tpu.memory_space<vmem>>
        %dma_start3A_84 = arith.constant 0 : i32
        %dma_start3A_85 = arith.constant 0 : i32
        %dma_start3A_86 = tpu.memref_slice %arg8[%dma_start3A_84, %dma_start3A_85] : memref<10240x128xf32, #tpu.memory_space<vmem_shared>> -> memref<10240x128xf32, #tpu.memory_space<vmem_shared>>
        tpu.enqueue_indirect_dma source(%arg7 : memref<128x128xf32, #tpu.memory_space<vmem>>) target(%dma_start3A_86 : memref<10240x128xf32, #tpu.memory_space<vmem_shared>>) offsets(%dma_start3A_83 : memref<128xi32, #tpu.memory_space<vmem>>) semaphore(%run_scoped3A_76 : memref<!tpu.dma_semaphore, #tpu.memory_space<semaphore_mem>>) {add = true}
        %dma_wait3A_87 = arith.constant 0 : i32
        %dma_wait3A_88 = arith.constant 0 : i32
        %dma_wait3A_89 = tpu.memref_slice %arg6[%run_scoped3A_75, %dma_wait3A_87, %dma_wait3A_88] : memref<2x96x128xi32, #tpu.memory_space<vmem>> -> memref<1x96x128xi32, #tpu.memory_space<vmem>>
        %dma_wait3A_90 = tpu.memref_squeeze %dma_wait3A_89 : memref<1x96x128xi32, #tpu.memory_space<vmem>> -> memref<96x128xi32, #tpu.memory_space<vmem>>
        %dma_wait3A_91 = arith.constant 0 : i32
        %dma_wait3A_92 = tpu.memref_slice %dma_wait3A_90[%add3A_74, %dma_wait3A_91] : memref<96x128xi32, #tpu.memory_space<vmem>> -> memref<1x128xi32, #tpu.memory_space<vmem>>
        %dma_wait3A_93 = tpu.memref_squeeze %dma_wait3A_92 : memref<1x128xi32, #tpu.memory_space<vmem>> -> memref<128xi32, #tpu.memory_space<vmem>>
        %dma_wait3A_94 = arith.constant 0 : i32
        %dma_wait3A_95 = arith.constant 0 : i32
        %dma_wait3A_96 = tpu.memref_slice %arg8[%dma_wait3A_94, %dma_wait3A_95] : memref<10240x128xf32, #tpu.memory_space<vmem_shared>> -> memref<10240x128xf32, #tpu.memory_space<vmem_shared>>
        tpu.wait_indirect_dma semaphore(%run_scoped3A_76 : memref<!tpu.dma_semaphore, #tpu.memory_space<semaphore_mem>>) src(%arg7 : memref<128x128xf32, #tpu.memory_space<vmem>>) dst(%dma_wait3A_96 : memref<10240x128xf32, #tpu.memory_space<vmem_shared>>)
        tpu.yield
      }) : () -> ()
    }
    %barrier3A_21 = arith.constant 0 : index
    tpu.barrier barrier_id(%barrier3A_21)
    %mul3A_22 = arith.constant 640 : i32
    %mul3A_23 = arith.muli %arg1, %mul3A_22 : i32
    %mul3A_24 = arith.constant 640 : i32
    %mul3A_25 = arith.muli %arg1, %mul3A_24 : i32
    "tpu.region"() ({
      %run_scoped3A = tpu.sem_alloc : memref<!tpu.dma_semaphore, #tpu.memory_space<semaphore_mem>>
      %dma_start3A = arith.constant 0 : i32
      %dma_start3A_26 = arith.constant 0 : i32
      %dma_start3A_27 = tpu.memref_slice %arg5[%arg0, %dma_start3A, %dma_start3A_26] : memref<2x10240x128xf32, #tpu.memory_space<hbm>> -> memref<1x10240x128xf32, #tpu.memory_space<hbm>>
      %dma_start3A_28 = tpu.memref_squeeze %dma_start3A_27 : memref<1x10240x128xf32, #tpu.memory_space<hbm>> -> memref<10240x128xf32, #tpu.memory_space<hbm>>
      %dma_start3A_29 = arith.constant 0 : i32
      %dma_start3A_30 = tpu.memref_slice %dma_start3A_28[%mul3A_25, %dma_start3A_29] : memref<10240x128xf32, #tpu.memory_space<hbm>> -> memref<640x128xf32, #tpu.memory_space<hbm>>
      %dma_start3A_31 = arith.constant 0 : i32
      %dma_start3A_32 = tpu.memref_slice %arg8[%mul3A_23, %dma_start3A_31] : memref<10240x128xf32, #tpu.memory_space<vmem_shared>> -> memref<640x128xf32, #tpu.memory_space<vmem_shared>>
      tpu.enqueue_dma source(%dma_start3A_32 : memref<640x128xf32, #tpu.memory_space<vmem_shared>>) target(%dma_start3A_30 : memref<640x128xf32, #tpu.memory_space<hbm>>) target_semaphore(%run_scoped3A : memref<!tpu.dma_semaphore, #tpu.memory_space<semaphore_mem>>)
      %dma_wait3A = arith.constant 0 : i32
      %dma_wait3A_33 = arith.constant 0 : i32
      %dma_wait3A_34 = tpu.memref_slice %arg5[%arg0, %dma_wait3A, %dma_wait3A_33] : memref<2x10240x128xf32, #tpu.memory_space<hbm>> -> memref<1x10240x128xf32, #tpu.memory_space<hbm>>
      %dma_wait3A_35 = tpu.memref_squeeze %dma_wait3A_34 : memref<1x10240x128xf32, #tpu.memory_space<hbm>> -> memref<10240x128xf32, #tpu.memory_space<hbm>>
      %dma_wait3A_36 = arith.constant 0 : i32
      %dma_wait3A_37 = tpu.memref_slice %dma_wait3A_35[%mul3A_25, %dma_wait3A_36] : memref<10240x128xf32, #tpu.memory_space<hbm>> -> memref<640x128xf32, #tpu.memory_space<hbm>>
      %dma_wait3A_38 = arith.constant 0 : i32
      %dma_wait3A_39 = tpu.memref_slice %arg8[%mul3A_23, %dma_wait3A_38] : memref<10240x128xf32, #tpu.memory_space<vmem_shared>> -> memref<640x128xf32, #tpu.memory_space<vmem_shared>>
      tpu.wait_dma2 semaphore(%run_scoped3A : memref<!tpu.dma_semaphore, #tpu.memory_space<semaphore_mem>>) src(%dma_wait3A_39 : memref<640x128xf32, #tpu.memory_space<vmem_shared>>) dst(%dma_wait3A_37 : memref<640x128xf32, #tpu.memory_space<hbm>>)
      tpu.yield
    }) : () -> ()
    return
  }
}

#map = affine_map<(d0, d1) -> (0, 0)>
#map1 = affine_map<(d0, d1) -> (0, 0, 0, 0)>
#map2 = affine_map<(d0, d1) -> (0, 0, 0)>
module attributes {stable_mosaic.version = 14 : i64} {
  func.func @k(%arg0: i32, %arg1: i32, %arg2: memref<10240x128xf32, #tpu.memory_space<hbm>>, %arg3: memref<32x2x96x128xi32, #tpu.memory_space<hbm>>, %arg4: memref<640x128xf32, #tpu.memory_space<hbm>>, %arg5: memref<2x10240x128xf32, #tpu.memory_space<hbm>>, %arg6: memref<2x96x128xi32, #tpu.memory_space<vmem>>, %arg7: memref<128x128xf32, #tpu.memory_space<vmem>>, %arg8: memref<10240x128xf32, #tpu.memory_space<vmem_shared>>, %arg9: memref<!tpu.dma_semaphore, #tpu.memory_space<semaphore_mem>>) attributes {dimension_semantics = [#tpu.dimension_semantics<core_parallel>, #tpu.dimension_semantics<subcore_parallel>], iteration_bounds = array<i64: 2, 16>, scalar_prefetch = 0 : i64, scratch_operands = 4 : i64, tpu.core_type = #tpu.core_type<sc_vector_subcore>, window_params = [{transform_indices = #map}, {transform_indices = #map1}, {transform_indices = #map}, {transform_indices = #map2}]} {
    %mul3A = arith.constant 2 : i32
    %mul3A_0 = arith.muli %arg1, %mul3A : i32
    %add3A = arith.addi %mul3A_0, %arg0 : i32
    %eq3A = arith.constant 0 : i32
    %eq3A_1 = arith.cmpi eq, %arg0, %eq3A : i32
    %jit3A = arith.constant 96 : i32
    %jit3A_2 = arith.constant 62 : i32
    %select_n3A = arith.select %eq3A_1, %jit3A, %jit3A_2 : i32
    "tpu.region"() ({
      %run_scoped3A = tpu.sem_alloc : memref<!tpu.dma_semaphore, #tpu.memory_space<semaphore_mem>>
      %dma_start3A = arith.constant 0 : i32
      %dma_start3A_26 = arith.constant 0 : i32
      %dma_start3A_27 = arith.constant 0 : i32
      %dma_start3A_28 = tpu.memref_slice %arg3[%add3A, %dma_start3A, %dma_start3A_26, %dma_start3A_27] : memref<32x2x96x128xi32, #tpu.memory_space<hbm>> -> memref<1x2x96x128xi32, #tpu.memory_space<hbm>>
      %dma_start3A_29 = tpu.memref_squeeze %dma_start3A_28 : memref<1x2x96x128xi32, #tpu.memory_space<hbm>> -> memref<2x96x128xi32, #tpu.memory_space<hbm>>
      %dma_start3A_30 = arith.constant 0 : i32
      %dma_start3A_31 = arith.constant 0 : i32
      %dma_start3A_32 = arith.constant 0 : i32
      %dma_start3A_33 = tpu.memref_slice %arg3[%add3A, %dma_start3A_30, %dma_start3A_31, %dma_start3A_32] : memref<32x2x96x128xi32, #tpu.memory_space<hbm>> -> memref<1x2x96x128xi32, #tpu.memory_space<hbm>>
      %dma_start3A_34 = tpu.memref_squeeze %dma_start3A_33 : memref<1x2x96x128xi32, #tpu.memory_space<hbm>> -> memref<2x96x128xi32, #tpu.memory_space<hbm>>
      tpu.enqueue_dma source(%dma_start3A_34 : memref<2x96x128xi32, #tpu.memory_space<hbm>>) target(%arg6 : memref<2x96x128xi32, #tpu.memory_space<vmem>>) target_semaphore(%run_scoped3A : memref<!tpu.dma_semaphore, #tpu.memory_space<semaphore_mem>>)
      %dma_wait3A = arith.constant 0 : i32
      %dma_wait3A_35 = arith.constant 0 : i32
      %dma_wait3A_36 = arith.constant 0 : i32
      %dma_wait3A_37 = tpu.memref_slice %arg3[%add3A, %dma_wait3A, %dma_wait3A_35, %dma_wait3A_36] : memref<32x2x96x128xi32, #tpu.memory_space<hbm>> -> memref<1x2x96x128xi32, #tpu.memory_space<hbm>>
      %dma_wait3A_38 = tpu.memref_squeeze %dma_wait3A_37 : memref<1x2x96x128xi32, #tpu.memory_space<hbm>> -> memref<2x96x128xi32, #tpu.memory_space<hbm>>
      %dma_wait3A_39 = arith.constant 0 : i32
      %dma_wait3A_40 = arith.constant 0 : i32
      %dma_wait3A_41 = arith.constant 0 : i32
      %dma_wait3A_42 = tpu.memref_slice %arg3[%add3A, %dma_wait3A_39, %dma_wait3A_40, %dma_wait3A_41] : memref<32x2x96x128xi32, #tpu.memory_space<hbm>> -> memref<1x2x96x128xi32, #tpu.memory_space<hbm>>
      %dma_wait3A_43 = tpu.memref_squeeze %dma_wait3A_42 : memref<1x2x96x128xi32, #tpu.memory_space<hbm>> -> memref<2x96x128xi32, #tpu.memory_space<hbm>>
      tpu.wait_dma2 semaphore(%run_scoped3A : memref<!tpu.dma_semaphore, #tpu.memory_space<semaphore_mem>>) src(%dma_wait3A_43 : memref<2x96x128xi32, #tpu.memory_space<hbm>>) dst(%arg6 : memref<2x96x128xi32, #tpu.memory_space<vmem>>)
      tpu.yield
    }) : () -> ()
    %mul3A_3 = arith.constant 640 : i32
    %mul3A_4 = arith.muli %arg1, %mul3A_3 : i32
    "tpu.region"() ({
      %run_scoped3A = tpu.sem_alloc : memref<!tpu.dma_semaphore, #tpu.memory_space<semaphore_mem>>
      %dma_start3A = arith.constant 0 : i32
      %dma_start3A_26 = tpu.memref_slice %arg8[%mul3A_4, %dma_start3A] : memref<10240x128xf32, #tpu.memory_space<vmem_shared>> -> memref<640x128xf32, #tpu.memory_space<vmem_shared>>
      tpu.enqueue_dma source(%arg4 : memref<640x128xf32, #tpu.memory_space<hbm>>) target(%dma_start3A_26 : memref<640x128xf32, #tpu.memory_space<vmem_shared>>) target_semaphore(%run_scoped3A : memref<!tpu.dma_semaphore, #tpu.memory_space<semaphore_mem>>)
      %dma_wait3A = arith.constant 0 : i32
      %dma_wait3A_27 = tpu.memref_slice %arg8[%mul3A_4, %dma_wait3A] : memref<10240x128xf32, #tpu.memory_space<vmem_shared>> -> memref<640x128xf32, #tpu.memory_space<vmem_shared>>
      tpu.wait_dma2 semaphore(%run_scoped3A : memref<!tpu.dma_semaphore, #tpu.memory_space<semaphore_mem>>) src(%arg4 : memref<640x128xf32, #tpu.memory_space<hbm>>) dst(%dma_wait3A_27 : memref<640x128xf32, #tpu.memory_space<vmem_shared>>)
      tpu.yield
    }) : () -> ()
    %barrier3A = arith.constant 0 : index
    tpu.barrier barrier_id(%barrier3A)
    %sub3A = arith.constant 0 : i32
    %sub3A_5 = arith.subi %select_n3A, %sub3A : i32
    %sub3A_6 = arith.constant 2 : i32
    %sub3A_7 = arith.constant 1 : i32
    %sub3A_8 = arith.subi %sub3A_6, %sub3A_7 : i32
    %add3A_9 = arith.addi %sub3A_5, %sub3A_8 : i32
    %div3A = arith.constant 2 : i32
    %div3A_10 = arith.divsi %add3A_9, %div3A : i32
    %while3A = arith.constant 2 : i32
    %while3A_11 = arith.constant 0 : i32
    %while3A_12 = arith.constant 0 : i32
    %while3A_13 = arith.subi %div3A_10, %while3A_12 : i32
    %while3A_14 = arith.addi %while3A_12, %while3A_13 : i32
    %while3A_15 = arith.constant 1 : i32
    %while3A_16 = arith.divsi %while3A_13, %while3A_15 : i32
    %while3A_17 = arith.muli %while3A_16, %while3A_15 : i32
    %while3A_18 = arith.addi %while3A_12, %while3A_17 : i32
    %while3A_19 = arith.constant 1 : i32
    scf.for %while3A_26 = %while3A_12 to %while3A_18 step %while3A_19  : i32 {
      %mul3A_27 = arith.muli %while3A_26, %while3A : i32
      %add3A_28 = arith.addi %while3A_11, %mul3A_27 : i32
      %dma_start3A = arith.constant 0 : i32
      %dma_start3A_29 = arith.constant 0 : i32
      %dma_start3A_30 = arith.constant 0 : i32
      %dma_start3A_31 = tpu.memref_slice %arg6[%dma_start3A, %dma_start3A_29, %dma_start3A_30] : memref<2x96x128xi32, #tpu.memory_space<vmem>> -> memref<1x96x128xi32, #tpu.memory_space<vmem>>
      %dma_start3A_32 = tpu.memref_squeeze %dma_start3A_31 : memref<1x96x128xi32, #tpu.memory_space<vmem>> -> memref<96x128xi32, #tpu.memory_space<vmem>>
      %dma_start3A_33 = arith.constant 0 : i32
      %dma_start3A_34 = tpu.memref_slice %dma_start3A_32[%add3A_28, %dma_start3A_33] : memref<96x128xi32, #tpu.memory_space<vmem>> -> memref<1x128xi32, #tpu.memory_space<vmem>>
      %dma_start3A_35 = tpu.memref_squeeze %dma_start3A_34 : memref<1x128xi32, #tpu.memory_space<vmem>> -> memref<128xi32, #tpu.memory_space<vmem>>
      %dma_start3A_36 = arith.constant 0 : i32
      %dma_start3A_37 = arith.constant 0 : i32
      %dma_start3A_38 = tpu.memref_slice %arg2[%dma_start3A_36, %dma_start3A_37] : memref<10240x128xf32, #tpu.memory_space<hbm>> -> memref<10240x128xf32, #tpu.memory_space<hbm>>
      tpu.enqueue_indirect_dma source(%dma_start3A_38 : memref<10240x128xf32, #tpu.memory_space<hbm>>) target(%arg7 : memref<128x128xf32, #tpu.memory_space<vmem>>) offsets(%dma_start3A_35 : memref<128xi32, #tpu.memory_space<vmem>>) semaphore(%arg9 : memref<!tpu.dma_semaphore, #tpu.memory_space<semaphore_mem>>)
      %dma_wait3A = arith.constant 0 : i32
      %dma_wait3A_39 = arith.constant 0 : i32
      %dma_wait3A_40 = arith.constant 0 : i32
      %dma_wait3A_41 = tpu.memref_slice %arg6[%dma_wait3A, %dma_wait3A_39, %dma_wait3A_40] : memref<2x96x128xi32, #tpu.memory_space<vmem>> -> memref<1x96x128xi32, #tpu.memory_space<vmem>>
      %dma_wait3A_42 = tpu.memref_squeeze %dma_wait3A_41 : memref<1x96x128xi32, #tpu.memory_space<vmem>> -> memref<96x128xi32, #tpu.memory_space<vmem>>
      %dma_wait3A_43 = arith.constant 0 : i32
      %dma_wait3A_44 = tpu.memref_slice %dma_wait3A_42[%add3A_28, %dma_wait3A_43] : memref<96x128xi32, #tpu.memory_space<vmem>> -> memref<1x128xi32, #tpu.memory_space<vmem>>
      %dma_wait3A_45 = tpu.memref_squeeze %dma_wait3A_44 : memref<1x128xi32, #tpu.memory_space<vmem>> -> memref<128xi32, #tpu.memory_space<vmem>>
      %dma_wait3A_46 = arith.constant 0 : i32
      %dma_wait3A_47 = arith.constant 0 : i32
      %dma_wait3A_48 = tpu.memref_slice %arg2[%dma_wait3A_46, %dma_wait3A_47] : memref<10240x128xf32, #tpu.memory_space<hbm>> -> memref<10240x128xf32, #tpu.memory_space<hbm>>
      tpu.wait_indirect_dma semaphore(%arg9 : memref<!tpu.dma_semaphore, #tpu.memory_space<semaphore_mem>>) src(%dma_wait3A_48 : memref<10240x128xf32, #tpu.memory_space<hbm>>) dst(%arg7 : memref<128x128xf32, #tpu.memory_space<vmem>>)
      %run_scoped3A = arith.constant 1 : i32
      "tpu.region"() ({
        %run_scoped3A_76 = tpu.sem_alloc : memref<!tpu.dma_semaphore, #tpu.memory_space<semaphore_mem>>
        %dma_start3A_77 = arith.constant 0 : i32
        %dma_start3A_78 = arith.constant 0 : i32
        %dma_start3A_79 = tpu.memref_slice %arg6[%run_scoped3A, %dma_start3A_77, %dma_start3A_78] : memref<2x96x128xi32, #tpu.memory_space<vmem>> -> memref<1x96x128xi32, #tpu.memory_space<vmem>>
        %dma_start3A_80 = tpu.memref_squeeze %dma_start3A_79 : memref<1x96x128xi32, #tpu.memory_space<vmem>> -> memref<96x128xi32, #tpu.memory_space<vmem>>
        %dma_start3A_81 = arith.constant 0 : i32
        %dma_start3A_82 = tpu.memref_slice %dma_start3A_80[%add3A_28, %dma_start3A_81] : memref<96x128xi32, #tpu.memory_space<vmem>> -> memref<1x128xi32, #tpu.memory_space<vmem>>
        %dma_start3A_83 = tpu.memref_squeeze %dma_start3A_82 : memref<1x128xi32, #tpu.memory_space<vmem>> -> memref<128xi32, #tpu.memory_space<vmem>>
        %dma_start3A_84 = arith.constant 0 : i32
        %dma_start3A_85 = arith.constant 0 : i32
        %dma_start3A_86 = tpu.memref_slice %arg8[%dma_start3A_84, %dma_start3A_85] : memref<10240x128xf32, #tpu.memory_space<vmem_shared>> -> memref<10240x128xf32, #tpu.memory_space<vmem_shared>>
        tpu.enqueue_indirect_dma source(%arg7 : memref<128x128xf32, #tpu.memory_space<vmem>>) target(%dma_start3A_86 : memref<10240x128xf32, #tpu.memory_space<vmem_shared>>) offsets(%dma_start3A_83 : memref<128xi32, #tpu.memory_space<vmem>>) semaphore(%run_scoped3A_76 : memref<!tpu.dma_semaphore, #tpu.memory_space<semaphore_mem>>) {add = true}
        %dma_wait3A_87 = arith.constant 0 : i32
        %dma_wait3A_88 = arith.constant 0 : i32
        %dma_wait3A_89 = tpu.memref_slice %arg6[%run_scoped3A, %dma_wait3A_87, %dma_wait3A_88] : memref<2x96x128xi32, #tpu.memory_space<vmem>> -> memref<1x96x128xi32, #tpu.memory_space<vmem>>
        %dma_wait3A_90 = tpu.memref_squeeze %dma_wait3A_89 : memref<1x96x128xi32, #tpu.memory_space<vmem>> -> memref<96x128xi32, #tpu.memory_space<vmem>>
        %dma_wait3A_91 = arith.constant 0 : i32
        %dma_wait3A_92 = tpu.memref_slice %dma_wait3A_90[%add3A_28, %dma_wait3A_91] : memref<96x128xi32, #tpu.memory_space<vmem>> -> memref<1x128xi32, #tpu.memory_space<vmem>>
        %dma_wait3A_93 = tpu.memref_squeeze %dma_wait3A_92 : memref<1x128xi32, #tpu.memory_space<vmem>> -> memref<128xi32, #tpu.memory_space<vmem>>
        %dma_wait3A_94 = arith.constant 0 : i32
        %dma_wait3A_95 = arith.constant 0 : i32
        %dma_wait3A_96 = tpu.memref_slice %arg8[%dma_wait3A_94, %dma_wait3A_95] : memref<10240x128xf32, #tpu.memory_space<vmem_shared>> -> memref<10240x128xf32, #tpu.memory_space<vmem_shared>>
        tpu.wait_indirect_dma semaphore(%run_scoped3A_76 : memref<!tpu.dma_semaphore, #tpu.memory_space<semaphore_mem>>) src(%arg7 : memref<128x128xf32, #tpu.memory_space<vmem>>) dst(%dma_wait3A_96 : memref<10240x128xf32, #tpu.memory_space<vmem_shared>>)
        tpu.yield
      }) : () -> ()
      %add3A_49 = arith.constant 1 : i32
      %add3A_50 = arith.addi %add3A_28, %add3A_49 : i32
      %dma_start3A_51 = arith.constant 0 : i32
      %dma_start3A_52 = arith.constant 0 : i32
      %dma_start3A_53 = arith.constant 0 : i32
      %dma_start3A_54 = tpu.memref_slice %arg6[%dma_start3A_51, %dma_start3A_52, %dma_start3A_53] : memref<2x96x128xi32, #tpu.memory_space<vmem>> -> memref<1x96x128xi32, #tpu.memory_space<vmem>>
      %dma_start3A_55 = tpu.memref_squeeze %dma_start3A_54 : memref<1x96x128xi32, #tpu.memory_space<vmem>> -> memref<96x128xi32, #tpu.memory_space<vmem>>
      %dma_start3A_56 = arith.constant 0 : i32
      %dma_start3A_57 = tpu.memref_slice %dma_start3A_55[%add3A_50, %dma_start3A_56] : memref<96x128xi32, #tpu.memory_space<vmem>> -> memref<1x128xi32, #tpu.memory_space<vmem>>
      %dma_start3A_58 = tpu.memref_squeeze %dma_start3A_57 : memref<1x128xi32, #tpu.memory_space<vmem>> -> memref<128xi32, #tpu.memory_space<vmem>>
      %dma_start3A_59 = arith.constant 0 : i32
      %dma_start3A_60 = arith.constant 0 : i32
      %dma_start3A_61 = tpu.memref_slice %arg2[%dma_start3A_59, %dma_start3A_60] : memref<10240x128xf32, #tpu.memory_space<hbm>> -> memref<10240x128xf32, #tpu.memory_space<hbm>>
      tpu.enqueue_indirect_dma source(%dma_start3A_61 : memref<10240x128xf32, #tpu.memory_space<hbm>>) target(%arg7 : memref<128x128xf32, #tpu.memory_space<vmem>>) offsets(%dma_start3A_58 : memref<128xi32, #tpu.memory_space<vmem>>) semaphore(%arg9 : memref<!tpu.dma_semaphore, #tpu.memory_space<semaphore_mem>>)
      %dma_wait3A_62 = arith.constant 0 : i32
      %dma_wait3A_63 = arith.constant 0 : i32
      %dma_wait3A_64 = arith.constant 0 : i32
      %dma_wait3A_65 = tpu.memref_slice %arg6[%dma_wait3A_62, %dma_wait3A_63, %dma_wait3A_64] : memref<2x96x128xi32, #tpu.memory_space<vmem>> -> memref<1x96x128xi32, #tpu.memory_space<vmem>>
      %dma_wait3A_66 = tpu.memref_squeeze %dma_wait3A_65 : memref<1x96x128xi32, #tpu.memory_space<vmem>> -> memref<96x128xi32, #tpu.memory_space<vmem>>
      %dma_wait3A_67 = arith.constant 0 : i32
      %dma_wait3A_68 = tpu.memref_slice %dma_wait3A_66[%add3A_50, %dma_wait3A_67] : memref<96x128xi32, #tpu.memory_space<vmem>> -> memref<1x128xi32, #tpu.memory_space<vmem>>
      %dma_wait3A_69 = tpu.memref_squeeze %dma_wait3A_68 : memref<1x128xi32, #tpu.memory_space<vmem>> -> memref<128xi32, #tpu.memory_space<vmem>>
      %dma_wait3A_70 = arith.constant 0 : i32
      %dma_wait3A_71 = arith.constant 0 : i32
      %dma_wait3A_72 = tpu.memref_slice %arg2[%dma_wait3A_70, %dma_wait3A_71] : memref<10240x128xf32, #tpu.memory_space<hbm>> -> memref<10240x128xf32, #tpu.memory_space<hbm>>
      tpu.wait_indirect_dma semaphore(%arg9 : memref<!tpu.dma_semaphore, #tpu.memory_space<semaphore_mem>>) src(%dma_wait3A_72 : memref<10240x128xf32, #tpu.memory_space<hbm>>) dst(%arg7 : memref<128x128xf32, #tpu.memory_space<vmem>>)
      %add3A_73 = arith.constant 1 : i32
      %add3A_74 = arith.addi %add3A_28, %add3A_73 : i32
      %run_scoped3A_75 = arith.constant 1 : i32
      "tpu.region"() ({
        %run_scoped3A_76 = tpu.sem_alloc : memref<!tpu.dma_semaphore, #tpu.memory_space<semaphore_mem>>
        %dma_start3A_77 = arith.constant 0 : i32
        %dma_start3A_78 = arith.constant 0 : i32
        %dma_start3A_79 = tpu.memref_slice %arg6[%run_scoped3A_75, %dma_start3A_77, %dma_start3A_78] : memref<2x96x128xi32, #tpu.memory_space<vmem>> -> memref<1x96x128xi32, #tpu.memory_space<vmem>>
        %dma_start3A_80 = tpu.memref_squeeze %dma_start3A_79 : memref<1x96x128xi32, #tpu.memory_space<vmem>> -> memref<96x128xi32, #tpu.memory_space<vmem>>
        %dma_start3A_81 = arith.constant 0 : i32
        %dma_start3A_82 = tpu.memref_slice %dma_start3A_80[%add3A_74, %dma_start3A_81] : memref<96x128xi32, #tpu.memory_space<vmem>> -> memref<1x128xi32, #tpu.memory_space<vmem>>
        %dma_start3A_83 = tpu.memref_squeeze %dma_start3A_82 : memref<1x128xi32, #tpu.memory_space<vmem>> -> memref<128xi32, #tpu.memory_space<vmem>>
        %dma_start3A_84 = arith.constant 0 : i32
        %dma_start3A_85 = arith.constant 0 : i32
        %dma_start3A_86 = tpu.memref_slice %arg8[%dma_start3A_84, %dma_start3A_85] : memref<10240x128xf32, #tpu.memory_space<vmem_shared>> -> memref<10240x128xf32, #tpu.memory_space<vmem_shared>>
        tpu.enqueue_indirect_dma source(%arg7 : memref<128x128xf32, #tpu.memory_space<vmem>>) target(%dma_start3A_86 : memref<10240x128xf32, #tpu.memory_space<vmem_shared>>) offsets(%dma_start3A_83 : memref<128xi32, #tpu.memory_space<vmem>>) semaphore(%run_scoped3A_76 : memref<!tpu.dma_semaphore, #tpu.memory_space<semaphore_mem>>) {add = true}
        %dma_wait3A_87 = arith.constant 0 : i32
        %dma_wait3A_88 = arith.constant 0 : i32
        %dma_wait3A_89 = tpu.memref_slice %arg6[%run_scoped3A_75, %dma_wait3A_87, %dma_wait3A_88] : memref<2x96x128xi32, #tpu.memory_space<vmem>> -> memref<1x96x128xi32, #tpu.memory_space<vmem>>
        %dma_wait3A_90 = tpu.memref_squeeze %dma_wait3A_89 : memref<1x96x128xi32, #tpu.memory_space<vmem>> -> memref<96x128xi32, #tpu.memory_space<vmem>>
        %dma_wait3A_91 = arith.constant 0 : i32
        %dma_wait3A_92 = tpu.memref_slice %dma_wait3A_90[%add3A_74, %dma_wait3A_91] : memref<96x128xi32, #tpu.memory_space<vmem>> -> memref<1x128xi32, #tpu.memory_space<vmem>>
        %dma_wait3A_93 = tpu.memref_squeeze %dma_wait3A_92 : memref<1x128xi32, #tpu.memory_space<vmem>> -> memref<128xi32, #tpu.memory_space<vmem>>
        %dma_wait3A_94 = arith.constant 0 : i32
        %dma_wait3A_95 = arith.constant 0 : i32
        %dma_wait3A_96 = tpu.memref_slice %arg8[%dma_wait3A_94, %dma_wait3A_95] : memref<10240x128xf32, #tpu.memory_space<vmem_shared>> -> memref<10240x128xf32, #tpu.memory_space<vmem_shared>>
        tpu.wait_indirect_dma semaphore(%run_scoped3A_76 : memref<!tpu.dma_semaphore, #tpu.memory_space<semaphore_mem>>) src(%arg7 : memref<128x128xf32, #tpu.memory_space<vmem>>) dst(%dma_wait3A_96 : memref<10240x128xf32, #tpu.memory_space<vmem_shared>>)
        tpu.yield
      }) : () -> ()
    }
    %while3A_20 = arith.constant 1 : i32
    scf.for %while3A_26 = %while3A_18 to %while3A_14 step %while3A_20  : i32 {
      %mul3A_27 = arith.muli %while3A_26, %while3A : i32
      %add3A_28 = arith.addi %while3A_11, %mul3A_27 : i32
      %dma_start3A = arith.constant 0 : i32
      %dma_start3A_29 = arith.constant 0 : i32
      %dma_start3A_30 = arith.constant 0 : i32
      %dma_start3A_31 = tpu.memref_slice %arg6[%dma_start3A, %dma_start3A_29, %dma_start3A_30] : memref<2x96x128xi32, #tpu.memory_space<vmem>> -> memref<1x96x128xi32, #tpu.memory_space<vmem>>
      %dma_start3A_32 = tpu.memref_squeeze %dma_start3A_31 : memref<1x96x128xi32, #tpu.memory_space<vmem>> -> memref<96x128xi32, #tpu.memory_space<vmem>>
      %dma_start3A_33 = arith.constant 0 : i32
      %dma_start3A_34 = tpu.memref_slice %dma_start3A_32[%add3A_28, %dma_start3A_33] : memref<96x128xi32, #tpu.memory_space<vmem>> -> memref<1x128xi32, #tpu.memory_space<vmem>>
      %dma_start3A_35 = tpu.memref_squeeze %dma_start3A_34 : memref<1x128xi32, #tpu.memory_space<vmem>> -> memref<128xi32, #tpu.memory_space<vmem>>
      %dma_start3A_36 = arith.constant 0 : i32
      %dma_start3A_37 = arith.constant 0 : i32
      %dma_start3A_38 = tpu.memref_slice %arg2[%dma_start3A_36, %dma_start3A_37] : memref<10240x128xf32, #tpu.memory_space<hbm>> -> memref<10240x128xf32, #tpu.memory_space<hbm>>
      tpu.enqueue_indirect_dma source(%dma_start3A_38 : memref<10240x128xf32, #tpu.memory_space<hbm>>) target(%arg7 : memref<128x128xf32, #tpu.memory_space<vmem>>) offsets(%dma_start3A_35 : memref<128xi32, #tpu.memory_space<vmem>>) semaphore(%arg9 : memref<!tpu.dma_semaphore, #tpu.memory_space<semaphore_mem>>)
      %dma_wait3A = arith.constant 0 : i32
      %dma_wait3A_39 = arith.constant 0 : i32
      %dma_wait3A_40 = arith.constant 0 : i32
      %dma_wait3A_41 = tpu.memref_slice %arg6[%dma_wait3A, %dma_wait3A_39, %dma_wait3A_40] : memref<2x96x128xi32, #tpu.memory_space<vmem>> -> memref<1x96x128xi32, #tpu.memory_space<vmem>>
      %dma_wait3A_42 = tpu.memref_squeeze %dma_wait3A_41 : memref<1x96x128xi32, #tpu.memory_space<vmem>> -> memref<96x128xi32, #tpu.memory_space<vmem>>
      %dma_wait3A_43 = arith.constant 0 : i32
      %dma_wait3A_44 = tpu.memref_slice %dma_wait3A_42[%add3A_28, %dma_wait3A_43] : memref<96x128xi32, #tpu.memory_space<vmem>> -> memref<1x128xi32, #tpu.memory_space<vmem>>
      %dma_wait3A_45 = tpu.memref_squeeze %dma_wait3A_44 : memref<1x128xi32, #tpu.memory_space<vmem>> -> memref<128xi32, #tpu.memory_space<vmem>>
      %dma_wait3A_46 = arith.constant 0 : i32
      %dma_wait3A_47 = arith.constant 0 : i32
      %dma_wait3A_48 = tpu.memref_slice %arg2[%dma_wait3A_46, %dma_wait3A_47] : memref<10240x128xf32, #tpu.memory_space<hbm>> -> memref<10240x128xf32, #tpu.memory_space<hbm>>
      tpu.wait_indirect_dma semaphore(%arg9 : memref<!tpu.dma_semaphore, #tpu.memory_space<semaphore_mem>>) src(%dma_wait3A_48 : memref<10240x128xf32, #tpu.memory_space<hbm>>) dst(%arg7 : memref<128x128xf32, #tpu.memory_space<vmem>>)
      %run_scoped3A = arith.constant 1 : i32
      "tpu.region"() ({
        %run_scoped3A_76 = tpu.sem_alloc : memref<!tpu.dma_semaphore, #tpu.memory_space<semaphore_mem>>
        %dma_start3A_77 = arith.constant 0 : i32
        %dma_start3A_78 = arith.constant 0 : i32
        %dma_start3A_79 = tpu.memref_slice %arg6[%run_scoped3A, %dma_start3A_77, %dma_start3A_78] : memref<2x96x128xi32, #tpu.memory_space<vmem>> -> memref<1x96x128xi32, #tpu.memory_space<vmem>>
        %dma_start3A_80 = tpu.memref_squeeze %dma_start3A_79 : memref<1x96x128xi32, #tpu.memory_space<vmem>> -> memref<96x128xi32, #tpu.memory_space<vmem>>
        %dma_start3A_81 = arith.constant 0 : i32
        %dma_start3A_82 = tpu.memref_slice %dma_start3A_80[%add3A_28, %dma_start3A_81] : memref<96x128xi32, #tpu.memory_space<vmem>> -> memref<1x128xi32, #tpu.memory_space<vmem>>
        %dma_start3A_83 = tpu.memref_squeeze %dma_start3A_82 : memref<1x128xi32, #tpu.memory_space<vmem>> -> memref<128xi32, #tpu.memory_space<vmem>>
        %dma_start3A_84 = arith.constant 0 : i32
        %dma_start3A_85 = arith.constant 0 : i32
        %dma_start3A_86 = tpu.memref_slice %arg8[%dma_start3A_84, %dma_start3A_85] : memref<10240x128xf32, #tpu.memory_space<vmem_shared>> -> memref<10240x128xf32, #tpu.memory_space<vmem_shared>>
        tpu.enqueue_indirect_dma source(%arg7 : memref<128x128xf32, #tpu.memory_space<vmem>>) target(%dma_start3A_86 : memref<10240x128xf32, #tpu.memory_space<vmem_shared>>) offsets(%dma_start3A_83 : memref<128xi32, #tpu.memory_space<vmem>>) semaphore(%run_scoped3A_76 : memref<!tpu.dma_semaphore, #tpu.memory_space<semaphore_mem>>) {add = true}
        %dma_wait3A_87 = arith.constant 0 : i32
        %dma_wait3A_88 = arith.constant 0 : i32
        %dma_wait3A_89 = tpu.memref_slice %arg6[%run_scoped3A, %dma_wait3A_87, %dma_wait3A_88] : memref<2x96x128xi32, #tpu.memory_space<vmem>> -> memref<1x96x128xi32, #tpu.memory_space<vmem>>
        %dma_wait3A_90 = tpu.memref_squeeze %dma_wait3A_89 : memref<1x96x128xi32, #tpu.memory_space<vmem>> -> memref<96x128xi32, #tpu.memory_space<vmem>>
        %dma_wait3A_91 = arith.constant 0 : i32
        %dma_wait3A_92 = tpu.memref_slice %dma_wait3A_90[%add3A_28, %dma_wait3A_91] : memref<96x128xi32, #tpu.memory_space<vmem>> -> memref<1x128xi32, #tpu.memory_space<vmem>>
        %dma_wait3A_93 = tpu.memref_squeeze %dma_wait3A_92 : memref<1x128xi32, #tpu.memory_space<vmem>> -> memref<128xi32, #tpu.memory_space<vmem>>
        %dma_wait3A_94 = arith.constant 0 : i32
        %dma_wait3A_95 = arith.constant 0 : i32
        %dma_wait3A_96 = tpu.memref_slice %arg8[%dma_wait3A_94, %dma_wait3A_95] : memref<10240x128xf32, #tpu.memory_space<vmem_shared>> -> memref<10240x128xf32, #tpu.memory_space<vmem_shared>>
        tpu.wait_indirect_dma semaphore(%run_scoped3A_76 : memref<!tpu.dma_semaphore, #tpu.memory_space<semaphore_mem>>) src(%arg7 : memref<128x128xf32, #tpu.memory_space<vmem>>) dst(%dma_wait3A_96 : memref<10240x128xf32, #tpu.memory_space<vmem_shared>>)
        tpu.yield
      }) : () -> ()
      %add3A_49 = arith.constant 1 : i32
      %add3A_50 = arith.addi %add3A_28, %add3A_49 : i32
      %dma_start3A_51 = arith.constant 0 : i32
      %dma_start3A_52 = arith.constant 0 : i32
      %dma_start3A_53 = arith.constant 0 : i32
      %dma_start3A_54 = tpu.memref_slice %arg6[%dma_start3A_51, %dma_start3A_52, %dma_start3A_53] : memref<2x96x128xi32, #tpu.memory_space<vmem>> -> memref<1x96x128xi32, #tpu.memory_space<vmem>>
      %dma_start3A_55 = tpu.memref_squeeze %dma_start3A_54 : memref<1x96x128xi32, #tpu.memory_space<vmem>> -> memref<96x128xi32, #tpu.memory_space<vmem>>
      %dma_start3A_56 = arith.constant 0 : i32
      %dma_start3A_57 = tpu.memref_slice %dma_start3A_55[%add3A_50, %dma_start3A_56] : memref<96x128xi32, #tpu.memory_space<vmem>> -> memref<1x128xi32, #tpu.memory_space<vmem>>
      %dma_start3A_58 = tpu.memref_squeeze %dma_start3A_57 : memref<1x128xi32, #tpu.memory_space<vmem>> -> memref<128xi32, #tpu.memory_space<vmem>>
      %dma_start3A_59 = arith.constant 0 : i32
      %dma_start3A_60 = arith.constant 0 : i32
      %dma_start3A_61 = tpu.memref_slice %arg2[%dma_start3A_59, %dma_start3A_60] : memref<10240x128xf32, #tpu.memory_space<hbm>> -> memref<10240x128xf32, #tpu.memory_space<hbm>>
      tpu.enqueue_indirect_dma source(%dma_start3A_61 : memref<10240x128xf32, #tpu.memory_space<hbm>>) target(%arg7 : memref<128x128xf32, #tpu.memory_space<vmem>>) offsets(%dma_start3A_58 : memref<128xi32, #tpu.memory_space<vmem>>) semaphore(%arg9 : memref<!tpu.dma_semaphore, #tpu.memory_space<semaphore_mem>>)
      %dma_wait3A_62 = arith.constant 0 : i32
      %dma_wait3A_63 = arith.constant 0 : i32
      %dma_wait3A_64 = arith.constant 0 : i32
      %dma_wait3A_65 = tpu.memref_slice %arg6[%dma_wait3A_62, %dma_wait3A_63, %dma_wait3A_64] : memref<2x96x128xi32, #tpu.memory_space<vmem>> -> memref<1x96x128xi32, #tpu.memory_space<vmem>>
      %dma_wait3A_66 = tpu.memref_squeeze %dma_wait3A_65 : memref<1x96x128xi32, #tpu.memory_space<vmem>> -> memref<96x128xi32, #tpu.memory_space<vmem>>
      %dma_wait3A_67 = arith.constant 0 : i32
      %dma_wait3A_68 = tpu.memref_slice %dma_wait3A_66[%add3A_50, %dma_wait3A_67] : memref<96x128xi32, #tpu.memory_space<vmem>> -> memref<1x128xi32, #tpu.memory_space<vmem>>
      %dma_wait3A_69 = tpu.memref_squeeze %dma_wait3A_68 : memref<1x128xi32, #tpu.memory_space<vmem>> -> memref<128xi32, #tpu.memory_space<vmem>>
      %dma_wait3A_70 = arith.constant 0 : i32
      %dma_wait3A_71 = arith.constant 0 : i32
      %dma_wait3A_72 = tpu.memref_slice %arg2[%dma_wait3A_70, %dma_wait3A_71] : memref<10240x128xf32, #tpu.memory_space<hbm>> -> memref<10240x128xf32, #tpu.memory_space<hbm>>
      tpu.wait_indirect_dma semaphore(%arg9 : memref<!tpu.dma_semaphore, #tpu.memory_space<semaphore_mem>>) src(%dma_wait3A_72 : memref<10240x128xf32, #tpu.memory_space<hbm>>) dst(%arg7 : memref<128x128xf32, #tpu.memory_space<vmem>>)
      %add3A_73 = arith.constant 1 : i32
      %add3A_74 = arith.addi %add3A_28, %add3A_73 : i32
      %run_scoped3A_75 = arith.constant 1 : i32
      "tpu.region"() ({
        %run_scoped3A_76 = tpu.sem_alloc : memref<!tpu.dma_semaphore, #tpu.memory_space<semaphore_mem>>
        %dma_start3A_77 = arith.constant 0 : i32
        %dma_start3A_78 = arith.constant 0 : i32
        %dma_start3A_79 = tpu.memref_slice %arg6[%run_scoped3A_75, %dma_start3A_77, %dma_start3A_78] : memref<2x96x128xi32, #tpu.memory_space<vmem>> -> memref<1x96x128xi32, #tpu.memory_space<vmem>>
        %dma_start3A_80 = tpu.memref_squeeze %dma_start3A_79 : memref<1x96x128xi32, #tpu.memory_space<vmem>> -> memref<96x128xi32, #tpu.memory_space<vmem>>
        %dma_start3A_81 = arith.constant 0 : i32
        %dma_start3A_82 = tpu.memref_slice %dma_start3A_80[%add3A_74, %dma_start3A_81] : memref<96x128xi32, #tpu.memory_space<vmem>> -> memref<1x128xi32, #tpu.memory_space<vmem>>
        %dma_start3A_83 = tpu.memref_squeeze %dma_start3A_82 : memref<1x128xi32, #tpu.memory_space<vmem>> -> memref<128xi32, #tpu.memory_space<vmem>>
        %dma_start3A_84 = arith.constant 0 : i32
        %dma_start3A_85 = arith.constant 0 : i32
        %dma_start3A_86 = tpu.memref_slice %arg8[%dma_start3A_84, %dma_start3A_85] : memref<10240x128xf32, #tpu.memory_space<vmem_shared>> -> memref<10240x128xf32, #tpu.memory_space<vmem_shared>>
        tpu.enqueue_indirect_dma source(%arg7 : memref<128x128xf32, #tpu.memory_space<vmem>>) target(%dma_start3A_86 : memref<10240x128xf32, #tpu.memory_space<vmem_shared>>) offsets(%dma_start3A_83 : memref<128xi32, #tpu.memory_space<vmem>>) semaphore(%run_scoped3A_76 : memref<!tpu.dma_semaphore, #tpu.memory_space<semaphore_mem>>) {add = true}
        %dma_wait3A_87 = arith.constant 0 : i32
        %dma_wait3A_88 = arith.constant 0 : i32
        %dma_wait3A_89 = tpu.memref_slice %arg6[%run_scoped3A_75, %dma_wait3A_87, %dma_wait3A_88] : memref<2x96x128xi32, #tpu.memory_space<vmem>> -> memref<1x96x128xi32, #tpu.memory_space<vmem>>
        %dma_wait3A_90 = tpu.memref_squeeze %dma_wait3A_89 : memref<1x96x128xi32, #tpu.memory_space<vmem>> -> memref<96x128xi32, #tpu.memory_space<vmem>>
        %dma_wait3A_91 = arith.constant 0 : i32
        %dma_wait3A_92 = tpu.memref_slice %dma_wait3A_90[%add3A_74, %dma_wait3A_91] : memref<96x128xi32, #tpu.memory_space<vmem>> -> memref<1x128xi32, #tpu.memory_space<vmem>>
        %dma_wait3A_93 = tpu.memref_squeeze %dma_wait3A_92 : memref<1x128xi32, #tpu.memory_space<vmem>> -> memref<128xi32, #tpu.memory_space<vmem>>
        %dma_wait3A_94 = arith.constant 0 : i32
        %dma_wait3A_95 = arith.constant 0 : i32
        %dma_wait3A_96 = tpu.memref_slice %arg8[%dma_wait3A_94, %dma_wait3A_95] : memref<10240x128xf32, #tpu.memory_space<vmem_shared>> -> memref<10240x128xf32, #tpu.memory_space<vmem_shared>>
        tpu.wait_indirect_dma semaphore(%run_scoped3A_76 : memref<!tpu.dma_semaphore, #tpu.memory_space<semaphore_mem>>) src(%arg7 : memref<128x128xf32, #tpu.memory_space<vmem>>) dst(%dma_wait3A_96 : memref<10240x128xf32, #tpu.memory_space<vmem_shared>>)
        tpu.yield
      }) : () -> ()
    }
    %barrier3A_21 = arith.constant 0 : index
    tpu.barrier barrier_id(%barrier3A_21)
    %mul3A_22 = arith.constant 640 : i32
    %mul3A_23 = arith.muli %arg1, %mul3A_22 : i32
    %mul3A_24 = arith.constant 640 : i32
    %mul3A_25 = arith.muli %arg1, %mul3A_24 : i32
    "tpu.region"() ({
      %run_scoped3A = tpu.sem_alloc : memref<!tpu.dma_semaphore, #tpu.memory_space<semaphore_mem>>
      %dma_start3A = arith.constant 0 : i32
      %dma_start3A_26 = arith.constant 0 : i32
      %dma_start3A_27 = tpu.memref_slice %arg5[%arg0, %dma_start3A, %dma_start3A_26] : memref<2x10240x128xf32, #tpu.memory_space<hbm>> -> memref<1x10240x128xf32, #tpu.memory_space<hbm>>
      %dma_start3A_28 = tpu.memref_squeeze %dma_start3A_27 : memref<1x10240x128xf32, #tpu.memory_space<hbm>> -> memref<10240x128xf32, #tpu.memory_space<hbm>>
      %dma_start3A_29 = arith.constant 0 : i32
      %dma_start3A_30 = tpu.memref_slice %dma_start3A_28[%mul3A_25, %dma_start3A_29] : memref<10240x128xf32, #tpu.memory_space<hbm>> -> memref<640x128xf32, #tpu.memory_space<hbm>>
      %dma_start3A_31 = arith.constant 0 : i32
      %dma_start3A_32 = tpu.memref_slice %arg8[%mul3A_23, %dma_start3A_31] : memref<10240x128xf32, #tpu.memory_space<vmem_shared>> -> memref<640x128xf32, #tpu.memory_space<vmem_shared>>
      tpu.enqueue_dma source(%dma_start3A_32 : memref<640x128xf32, #tpu.memory_space<vmem_shared>>) target(%dma_start3A_30 : memref<640x128xf32, #tpu.memory_space<hbm>>) target_semaphore(%run_scoped3A : memref<!tpu.dma_semaphore, #tpu.memory_space<semaphore_mem>>)
      %dma_wait3A = arith.constant 0 : i32
      %dma_wait3A_33 = arith.constant 0 : i32
      %dma_wait3A_34 = tpu.memref_slice %arg5[%arg0, %dma_wait3A, %dma_wait3A_33] : memref<2x10240x128xf32, #tpu.memory_space<hbm>> -> memref<1x10240x128xf32, #tpu.memory_space<hbm>>
      %dma_wait3A_35 = tpu.memref_squeeze %dma_wait3A_34 : memref<1x10240x128xf32, #tpu.memory_space<hbm>> -> memref<10240x128xf32, #tpu.memory_space<hbm>>
      %dma_wait3A_36 = arith.constant 0 : i32
      %dma_wait3A_37 = tpu.memref_slice %dma_wait3A_35[%mul3A_25, %dma_wait3A_36] : memref<10240x128xf32, #tpu.memory_space<hbm>> -> memref<640x128xf32, #tpu.memory_space<hbm>>
      %dma_wait3A_38 = arith.constant 0 : i32
      %dma_wait3A_39 = tpu.memref_slice %arg8[%mul3A_23, %dma_wait3A_38] : memref<10240x128xf32, #tpu.memory_space<vmem_shared>> -> memref<640x128xf32, #tpu.memory_space<vmem_shared>>
      tpu.wait_dma2 semaphore(%run_scoped3A : memref<!tpu.dma_semaphore, #tpu.memory_space<semaphore_mem>>) src(%dma_wait3A_39 : memref<640x128xf32, #tpu.memory_space<vmem_shared>>) dst(%dma_wait3A_37 : memref<640x128xf32, #tpu.memory_space<hbm>>)
      tpu.yield
    }) : () -> ()
    return
  }
}

#map = affine_map<(d0, d1) -> (0, 0)>
#map1 = affine_map<(d0, d1) -> (0, 0, 0, 0)>
#map2 = affine_map<(d0, d1) -> (0, 0, 0)>
module attributes {stable_mosaic.version = 14 : i64} {
  func.func @k(%arg0: i32, %arg1: i32, %arg2: memref<10240x128xf32, #tpu.memory_space<hbm>>, %arg3: memref<32x2x96x128xi32, #tpu.memory_space<hbm>>, %arg4: memref<640x128xf32, #tpu.memory_space<hbm>>, %arg5: memref<2x10240x128xf32, #tpu.memory_space<hbm>>, %arg6: memref<2x96x128xi32, #tpu.memory_space<vmem>>, %arg7: memref<128x128xf32, #tpu.memory_space<vmem>>, %arg8: memref<10240x128xf32, #tpu.memory_space<vmem_shared>>, %arg9: memref<!tpu.dma_semaphore, #tpu.memory_space<semaphore_mem>>) attributes {dimension_semantics = [#tpu.dimension_semantics<core_parallel>, #tpu.dimension_semantics<subcore_parallel>], iteration_bounds = array<i64: 2, 16>, scalar_prefetch = 0 : i64, scratch_operands = 4 : i64, tpu.core_type = #tpu.core_type<sc_vector_subcore>, window_params = [{transform_indices = #map}, {transform_indices = #map1}, {transform_indices = #map}, {transform_indices = #map2}]} {
    %mul3A = arith.constant 2 : i32
    %mul3A_0 = arith.muli %arg1, %mul3A : i32
    %add3A = arith.addi %mul3A_0, %arg0 : i32
    %eq3A = arith.constant 0 : i32
    %eq3A_1 = arith.cmpi eq, %arg0, %eq3A : i32
    %jit3A = arith.constant 96 : i32
    %jit3A_2 = arith.constant 62 : i32
    %select_n3A = arith.select %eq3A_1, %jit3A, %jit3A_2 : i32
    "tpu.region"() ({
      %run_scoped3A = tpu.sem_alloc : memref<!tpu.dma_semaphore, #tpu.memory_space<semaphore_mem>>
      %dma_start3A = arith.constant 0 : i32
      %dma_start3A_26 = arith.constant 0 : i32
      %dma_start3A_27 = arith.constant 0 : i32
      %dma_start3A_28 = tpu.memref_slice %arg3[%add3A, %dma_start3A, %dma_start3A_26, %dma_start3A_27] : memref<32x2x96x128xi32, #tpu.memory_space<hbm>> -> memref<1x2x96x128xi32, #tpu.memory_space<hbm>>
      %dma_start3A_29 = tpu.memref_squeeze %dma_start3A_28 : memref<1x2x96x128xi32, #tpu.memory_space<hbm>> -> memref<2x96x128xi32, #tpu.memory_space<hbm>>
      %dma_start3A_30 = arith.constant 0 : i32
      %dma_start3A_31 = arith.constant 0 : i32
      %dma_start3A_32 = arith.constant 0 : i32
      %dma_start3A_33 = tpu.memref_slice %arg3[%add3A, %dma_start3A_30, %dma_start3A_31, %dma_start3A_32] : memref<32x2x96x128xi32, #tpu.memory_space<hbm>> -> memref<1x2x96x128xi32, #tpu.memory_space<hbm>>
      %dma_start3A_34 = tpu.memref_squeeze %dma_start3A_33 : memref<1x2x96x128xi32, #tpu.memory_space<hbm>> -> memref<2x96x128xi32, #tpu.memory_space<hbm>>
      tpu.enqueue_dma source(%dma_start3A_34 : memref<2x96x128xi32, #tpu.memory_space<hbm>>) target(%arg6 : memref<2x96x128xi32, #tpu.memory_space<vmem>>) target_semaphore(%run_scoped3A : memref<!tpu.dma_semaphore, #tpu.memory_space<semaphore_mem>>)
      %dma_wait3A = arith.constant 0 : i32
      %dma_wait3A_35 = arith.constant 0 : i32
      %dma_wait3A_36 = arith.constant 0 : i32
      %dma_wait3A_37 = tpu.memref_slice %arg3[%add3A, %dma_wait3A, %dma_wait3A_35, %dma_wait3A_36] : memref<32x2x96x128xi32, #tpu.memory_space<hbm>> -> memref<1x2x96x128xi32, #tpu.memory_space<hbm>>
      %dma_wait3A_38 = tpu.memref_squeeze %dma_wait3A_37 : memref<1x2x96x128xi32, #tpu.memory_space<hbm>> -> memref<2x96x128xi32, #tpu.memory_space<hbm>>
      %dma_wait3A_39 = arith.constant 0 : i32
      %dma_wait3A_40 = arith.constant 0 : i32
      %dma_wait3A_41 = arith.constant 0 : i32
      %dma_wait3A_42 = tpu.memref_slice %arg3[%add3A, %dma_wait3A_39, %dma_wait3A_40, %dma_wait3A_41] : memref<32x2x96x128xi32, #tpu.memory_space<hbm>> -> memref<1x2x96x128xi32, #tpu.memory_space<hbm>>
      %dma_wait3A_43 = tpu.memref_squeeze %dma_wait3A_42 : memref<1x2x96x128xi32, #tpu.memory_space<hbm>> -> memref<2x96x128xi32, #tpu.memory_space<hbm>>
      tpu.wait_dma2 semaphore(%run_scoped3A : memref<!tpu.dma_semaphore, #tpu.memory_space<semaphore_mem>>) src(%dma_wait3A_43 : memref<2x96x128xi32, #tpu.memory_space<hbm>>) dst(%arg6 : memref<2x96x128xi32, #tpu.memory_space<vmem>>)
      tpu.yield
    }) : () -> ()
    %mul3A_3 = arith.constant 640 : i32
    %mul3A_4 = arith.muli %arg1, %mul3A_3 : i32
    "tpu.region"() ({
      %run_scoped3A = tpu.sem_alloc : memref<!tpu.dma_semaphore, #tpu.memory_space<semaphore_mem>>
      %dma_start3A = arith.constant 0 : i32
      %dma_start3A_26 = tpu.memref_slice %arg8[%mul3A_4, %dma_start3A] : memref<10240x128xf32, #tpu.memory_space<vmem_shared>> -> memref<640x128xf32, #tpu.memory_space<vmem_shared>>
      tpu.enqueue_dma source(%arg4 : memref<640x128xf32, #tpu.memory_space<hbm>>) target(%dma_start3A_26 : memref<640x128xf32, #tpu.memory_space<vmem_shared>>) target_semaphore(%run_scoped3A : memref<!tpu.dma_semaphore, #tpu.memory_space<semaphore_mem>>)
      %dma_wait3A = arith.constant 0 : i32
      %dma_wait3A_27 = tpu.memref_slice %arg8[%mul3A_4, %dma_wait3A] : memref<10240x128xf32, #tpu.memory_space<vmem_shared>> -> memref<640x128xf32, #tpu.memory_space<vmem_shared>>
      tpu.wait_dma2 semaphore(%run_scoped3A : memref<!tpu.dma_semaphore, #tpu.memory_space<semaphore_mem>>) src(%arg4 : memref<640x128xf32, #tpu.memory_space<hbm>>) dst(%dma_wait3A_27 : memref<640x128xf32, #tpu.memory_space<vmem_shared>>)
      tpu.yield
    }) : () -> ()
    %barrier3A = arith.constant 0 : index
    tpu.barrier barrier_id(%barrier3A)
    %sub3A = arith.constant 0 : i32
    %sub3A_5 = arith.subi %select_n3A, %sub3A : i32
    %sub3A_6 = arith.constant 2 : i32
    %sub3A_7 = arith.constant 1 : i32
    %sub3A_8 = arith.subi %sub3A_6, %sub3A_7 : i32
    %add3A_9 = arith.addi %sub3A_5, %sub3A_8 : i32
    %div3A = arith.constant 2 : i32
    %div3A_10 = arith.divsi %add3A_9, %div3A : i32
    %while3A = arith.constant 2 : i32
    %while3A_11 = arith.constant 0 : i32
    %while3A_12 = arith.constant 0 : i32
    %while3A_13 = arith.subi %div3A_10, %while3A_12 : i32
    %while3A_14 = arith.addi %while3A_12, %while3A_13 : i32
    %while3A_15 = arith.constant 1 : i32
    %while3A_16 = arith.divsi %while3A_13, %while3A_15 : i32
    %while3A_17 = arith.muli %while3A_16, %while3A_15 : i32
    %while3A_18 = arith.addi %while3A_12, %while3A_17 : i32
    %while3A_19 = arith.constant 1 : i32
    scf.for %while3A_26 = %while3A_12 to %while3A_18 step %while3A_19  : i32 {
      %mul3A_27 = arith.muli %while3A_26, %while3A : i32
      %add3A_28 = arith.addi %while3A_11, %mul3A_27 : i32
      %dma_start3A = arith.constant 0 : i32
      %dma_start3A_29 = arith.constant 0 : i32
      %dma_start3A_30 = arith.constant 0 : i32
      %dma_start3A_31 = tpu.memref_slice %arg6[%dma_start3A, %dma_start3A_29, %dma_start3A_30] : memref<2x96x128xi32, #tpu.memory_space<vmem>> -> memref<1x96x128xi32, #tpu.memory_space<vmem>>
      %dma_start3A_32 = tpu.memref_squeeze %dma_start3A_31 : memref<1x96x128xi32, #tpu.memory_space<vmem>> -> memref<96x128xi32, #tpu.memory_space<vmem>>
      %dma_start3A_33 = arith.constant 0 : i32
      %dma_start3A_34 = tpu.memref_slice %dma_start3A_32[%add3A_28, %dma_start3A_33] : memref<96x128xi32, #tpu.memory_space<vmem>> -> memref<1x128xi32, #tpu.memory_space<vmem>>
      %dma_start3A_35 = tpu.memref_squeeze %dma_start3A_34 : memref<1x128xi32, #tpu.memory_space<vmem>> -> memref<128xi32, #tpu.memory_space<vmem>>
      %dma_start3A_36 = arith.constant 0 : i32
      %dma_start3A_37 = arith.constant 0 : i32
      %dma_start3A_38 = tpu.memref_slice %arg2[%dma_start3A_36, %dma_start3A_37] : memref<10240x128xf32, #tpu.memory_space<hbm>> -> memref<10240x128xf32, #tpu.memory_space<hbm>>
      tpu.enqueue_indirect_dma source(%dma_start3A_38 : memref<10240x128xf32, #tpu.memory_space<hbm>>) target(%arg7 : memref<128x128xf32, #tpu.memory_space<vmem>>) offsets(%dma_start3A_35 : memref<128xi32, #tpu.memory_space<vmem>>) semaphore(%arg9 : memref<!tpu.dma_semaphore, #tpu.memory_space<semaphore_mem>>)
      %dma_wait3A = arith.constant 0 : i32
      %dma_wait3A_39 = arith.constant 0 : i32
      %dma_wait3A_40 = arith.constant 0 : i32
      %dma_wait3A_41 = tpu.memref_slice %arg6[%dma_wait3A, %dma_wait3A_39, %dma_wait3A_40] : memref<2x96x128xi32, #tpu.memory_space<vmem>> -> memref<1x96x128xi32, #tpu.memory_space<vmem>>
      %dma_wait3A_42 = tpu.memref_squeeze %dma_wait3A_41 : memref<1x96x128xi32, #tpu.memory_space<vmem>> -> memref<96x128xi32, #tpu.memory_space<vmem>>
      %dma_wait3A_43 = arith.constant 0 : i32
      %dma_wait3A_44 = tpu.memref_slice %dma_wait3A_42[%add3A_28, %dma_wait3A_43] : memref<96x128xi32, #tpu.memory_space<vmem>> -> memref<1x128xi32, #tpu.memory_space<vmem>>
      %dma_wait3A_45 = tpu.memref_squeeze %dma_wait3A_44 : memref<1x128xi32, #tpu.memory_space<vmem>> -> memref<128xi32, #tpu.memory_space<vmem>>
      %dma_wait3A_46 = arith.constant 0 : i32
      %dma_wait3A_47 = arith.constant 0 : i32
      %dma_wait3A_48 = tpu.memref_slice %arg2[%dma_wait3A_46, %dma_wait3A_47] : memref<10240x128xf32, #tpu.memory_space<hbm>> -> memref<10240x128xf32, #tpu.memory_space<hbm>>
      tpu.wait_indirect_dma semaphore(%arg9 : memref<!tpu.dma_semaphore, #tpu.memory_space<semaphore_mem>>) src(%dma_wait3A_48 : memref<10240x128xf32, #tpu.memory_space<hbm>>) dst(%arg7 : memref<128x128xf32, #tpu.memory_space<vmem>>)
      %run_scoped3A = arith.constant 1 : i32
      "tpu.region"() ({
        %run_scoped3A_76 = tpu.sem_alloc : memref<!tpu.dma_semaphore, #tpu.memory_space<semaphore_mem>>
        %dma_start3A_77 = arith.constant 0 : i32
        %dma_start3A_78 = arith.constant 0 : i32
        %dma_start3A_79 = tpu.memref_slice %arg6[%run_scoped3A, %dma_start3A_77, %dma_start3A_78] : memref<2x96x128xi32, #tpu.memory_space<vmem>> -> memref<1x96x128xi32, #tpu.memory_space<vmem>>
        %dma_start3A_80 = tpu.memref_squeeze %dma_start3A_79 : memref<1x96x128xi32, #tpu.memory_space<vmem>> -> memref<96x128xi32, #tpu.memory_space<vmem>>
        %dma_start3A_81 = arith.constant 0 : i32
        %dma_start3A_82 = tpu.memref_slice %dma_start3A_80[%add3A_28, %dma_start3A_81] : memref<96x128xi32, #tpu.memory_space<vmem>> -> memref<1x128xi32, #tpu.memory_space<vmem>>
        %dma_start3A_83 = tpu.memref_squeeze %dma_start3A_82 : memref<1x128xi32, #tpu.memory_space<vmem>> -> memref<128xi32, #tpu.memory_space<vmem>>
        %dma_start3A_84 = arith.constant 0 : i32
        %dma_start3A_85 = arith.constant 0 : i32
        %dma_start3A_86 = tpu.memref_slice %arg8[%dma_start3A_84, %dma_start3A_85] : memref<10240x128xf32, #tpu.memory_space<vmem_shared>> -> memref<10240x128xf32, #tpu.memory_space<vmem_shared>>
        tpu.enqueue_indirect_dma source(%arg7 : memref<128x128xf32, #tpu.memory_space<vmem>>) target(%dma_start3A_86 : memref<10240x128xf32, #tpu.memory_space<vmem_shared>>) offsets(%dma_start3A_83 : memref<128xi32, #tpu.memory_space<vmem>>) semaphore(%run_scoped3A_76 : memref<!tpu.dma_semaphore, #tpu.memory_space<semaphore_mem>>) {add = true}
        %dma_wait3A_87 = arith.constant 0 : i32
        %dma_wait3A_88 = arith.constant 0 : i32
        %dma_wait3A_89 = tpu.memref_slice %arg6[%run_scoped3A, %dma_wait3A_87, %dma_wait3A_88] : memref<2x96x128xi32, #tpu.memory_space<vmem>> -> memref<1x96x128xi32, #tpu.memory_space<vmem>>
        %dma_wait3A_90 = tpu.memref_squeeze %dma_wait3A_89 : memref<1x96x128xi32, #tpu.memory_space<vmem>> -> memref<96x128xi32, #tpu.memory_space<vmem>>
        %dma_wait3A_91 = arith.constant 0 : i32
        %dma_wait3A_92 = tpu.memref_slice %dma_wait3A_90[%add3A_28, %dma_wait3A_91] : memref<96x128xi32, #tpu.memory_space<vmem>> -> memref<1x128xi32, #tpu.memory_space<vmem>>
        %dma_wait3A_93 = tpu.memref_squeeze %dma_wait3A_92 : memref<1x128xi32, #tpu.memory_space<vmem>> -> memref<128xi32, #tpu.memory_space<vmem>>
        %dma_wait3A_94 = arith.constant 0 : i32
        %dma_wait3A_95 = arith.constant 0 : i32
        %dma_wait3A_96 = tpu.memref_slice %arg8[%dma_wait3A_94, %dma_wait3A_95] : memref<10240x128xf32, #tpu.memory_space<vmem_shared>> -> memref<10240x128xf32, #tpu.memory_space<vmem_shared>>
        tpu.wait_indirect_dma semaphore(%run_scoped3A_76 : memref<!tpu.dma_semaphore, #tpu.memory_space<semaphore_mem>>) src(%arg7 : memref<128x128xf32, #tpu.memory_space<vmem>>) dst(%dma_wait3A_96 : memref<10240x128xf32, #tpu.memory_space<vmem_shared>>)
        tpu.yield
      }) : () -> ()
      %add3A_49 = arith.constant 1 : i32
      %add3A_50 = arith.addi %add3A_28, %add3A_49 : i32
      %dma_start3A_51 = arith.constant 0 : i32
      %dma_start3A_52 = arith.constant 0 : i32
      %dma_start3A_53 = arith.constant 0 : i32
      %dma_start3A_54 = tpu.memref_slice %arg6[%dma_start3A_51, %dma_start3A_52, %dma_start3A_53] : memref<2x96x128xi32, #tpu.memory_space<vmem>> -> memref<1x96x128xi32, #tpu.memory_space<vmem>>
      %dma_start3A_55 = tpu.memref_squeeze %dma_start3A_54 : memref<1x96x128xi32, #tpu.memory_space<vmem>> -> memref<96x128xi32, #tpu.memory_space<vmem>>
      %dma_start3A_56 = arith.constant 0 : i32
      %dma_start3A_57 = tpu.memref_slice %dma_start3A_55[%add3A_50, %dma_start3A_56] : memref<96x128xi32, #tpu.memory_space<vmem>> -> memref<1x128xi32, #tpu.memory_space<vmem>>
      %dma_start3A_58 = tpu.memref_squeeze %dma_start3A_57 : memref<1x128xi32, #tpu.memory_space<vmem>> -> memref<128xi32, #tpu.memory_space<vmem>>
      %dma_start3A_59 = arith.constant 0 : i32
      %dma_start3A_60 = arith.constant 0 : i32
      %dma_start3A_61 = tpu.memref_slice %arg2[%dma_start3A_59, %dma_start3A_60] : memref<10240x128xf32, #tpu.memory_space<hbm>> -> memref<10240x128xf32, #tpu.memory_space<hbm>>
      tpu.enqueue_indirect_dma source(%dma_start3A_61 : memref<10240x128xf32, #tpu.memory_space<hbm>>) target(%arg7 : memref<128x128xf32, #tpu.memory_space<vmem>>) offsets(%dma_start3A_58 : memref<128xi32, #tpu.memory_space<vmem>>) semaphore(%arg9 : memref<!tpu.dma_semaphore, #tpu.memory_space<semaphore_mem>>)
      %dma_wait3A_62 = arith.constant 0 : i32
      %dma_wait3A_63 = arith.constant 0 : i32
      %dma_wait3A_64 = arith.constant 0 : i32
      %dma_wait3A_65 = tpu.memref_slice %arg6[%dma_wait3A_62, %dma_wait3A_63, %dma_wait3A_64] : memref<2x96x128xi32, #tpu.memory_space<vmem>> -> memref<1x96x128xi32, #tpu.memory_space<vmem>>
      %dma_wait3A_66 = tpu.memref_squeeze %dma_wait3A_65 : memref<1x96x128xi32, #tpu.memory_space<vmem>> -> memref<96x128xi32, #tpu.memory_space<vmem>>
      %dma_wait3A_67 = arith.constant 0 : i32
      %dma_wait3A_68 = tpu.memref_slice %dma_wait3A_66[%add3A_50, %dma_wait3A_67] : memref<96x128xi32, #tpu.memory_space<vmem>> -> memref<1x128xi32, #tpu.memory_space<vmem>>
      %dma_wait3A_69 = tpu.memref_squeeze %dma_wait3A_68 : memref<1x128xi32, #tpu.memory_space<vmem>> -> memref<128xi32, #tpu.memory_space<vmem>>
      %dma_wait3A_70 = arith.constant 0 : i32
      %dma_wait3A_71 = arith.constant 0 : i32
      %dma_wait3A_72 = tpu.memref_slice %arg2[%dma_wait3A_70, %dma_wait3A_71] : memref<10240x128xf32, #tpu.memory_space<hbm>> -> memref<10240x128xf32, #tpu.memory_space<hbm>>
      tpu.wait_indirect_dma semaphore(%arg9 : memref<!tpu.dma_semaphore, #tpu.memory_space<semaphore_mem>>) src(%dma_wait3A_72 : memref<10240x128xf32, #tpu.memory_space<hbm>>) dst(%arg7 : memref<128x128xf32, #tpu.memory_space<vmem>>)
      %add3A_73 = arith.constant 1 : i32
      %add3A_74 = arith.addi %add3A_28, %add3A_73 : i32
      %run_scoped3A_75 = arith.constant 1 : i32
      "tpu.region"() ({
        %run_scoped3A_76 = tpu.sem_alloc : memref<!tpu.dma_semaphore, #tpu.memory_space<semaphore_mem>>
        %dma_start3A_77 = arith.constant 0 : i32
        %dma_start3A_78 = arith.constant 0 : i32
        %dma_start3A_79 = tpu.memref_slice %arg6[%run_scoped3A_75, %dma_start3A_77, %dma_start3A_78] : memref<2x96x128xi32, #tpu.memory_space<vmem>> -> memref<1x96x128xi32, #tpu.memory_space<vmem>>
        %dma_start3A_80 = tpu.memref_squeeze %dma_start3A_79 : memref<1x96x128xi32, #tpu.memory_space<vmem>> -> memref<96x128xi32, #tpu.memory_space<vmem>>
        %dma_start3A_81 = arith.constant 0 : i32
        %dma_start3A_82 = tpu.memref_slice %dma_start3A_80[%add3A_74, %dma_start3A_81] : memref<96x128xi32, #tpu.memory_space<vmem>> -> memref<1x128xi32, #tpu.memory_space<vmem>>
        %dma_start3A_83 = tpu.memref_squeeze %dma_start3A_82 : memref<1x128xi32, #tpu.memory_space<vmem>> -> memref<128xi32, #tpu.memory_space<vmem>>
        %dma_start3A_84 = arith.constant 0 : i32
        %dma_start3A_85 = arith.constant 0 : i32
        %dma_start3A_86 = tpu.memref_slice %arg8[%dma_start3A_84, %dma_start3A_85] : memref<10240x128xf32, #tpu.memory_space<vmem_shared>> -> memref<10240x128xf32, #tpu.memory_space<vmem_shared>>
        tpu.enqueue_indirect_dma source(%arg7 : memref<128x128xf32, #tpu.memory_space<vmem>>) target(%dma_start3A_86 : memref<10240x128xf32, #tpu.memory_space<vmem_shared>>) offsets(%dma_start3A_83 : memref<128xi32, #tpu.memory_space<vmem>>) semaphore(%run_scoped3A_76 : memref<!tpu.dma_semaphore, #tpu.memory_space<semaphore_mem>>) {add = true}
        %dma_wait3A_87 = arith.constant 0 : i32
        %dma_wait3A_88 = arith.constant 0 : i32
        %dma_wait3A_89 = tpu.memref_slice %arg6[%run_scoped3A_75, %dma_wait3A_87, %dma_wait3A_88] : memref<2x96x128xi32, #tpu.memory_space<vmem>> -> memref<1x96x128xi32, #tpu.memory_space<vmem>>
        %dma_wait3A_90 = tpu.memref_squeeze %dma_wait3A_89 : memref<1x96x128xi32, #tpu.memory_space<vmem>> -> memref<96x128xi32, #tpu.memory_space<vmem>>
        %dma_wait3A_91 = arith.constant 0 : i32
        %dma_wait3A_92 = tpu.memref_slice %dma_wait3A_90[%add3A_74, %dma_wait3A_91] : memref<96x128xi32, #tpu.memory_space<vmem>> -> memref<1x128xi32, #tpu.memory_space<vmem>>
        %dma_wait3A_93 = tpu.memref_squeeze %dma_wait3A_92 : memref<1x128xi32, #tpu.memory_space<vmem>> -> memref<128xi32, #tpu.memory_space<vmem>>
        %dma_wait3A_94 = arith.constant 0 : i32
        %dma_wait3A_95 = arith.constant 0 : i32
        %dma_wait3A_96 = tpu.memref_slice %arg8[%dma_wait3A_94, %dma_wait3A_95] : memref<10240x128xf32, #tpu.memory_space<vmem_shared>> -> memref<10240x128xf32, #tpu.memory_space<vmem_shared>>
        tpu.wait_indirect_dma semaphore(%run_scoped3A_76 : memref<!tpu.dma_semaphore, #tpu.memory_space<semaphore_mem>>) src(%arg7 : memref<128x128xf32, #tpu.memory_space<vmem>>) dst(%dma_wait3A_96 : memref<10240x128xf32, #tpu.memory_space<vmem_shared>>)
        tpu.yield
      }) : () -> ()
    }
    %while3A_20 = arith.constant 1 : i32
    scf.for %while3A_26 = %while3A_18 to %while3A_14 step %while3A_20  : i32 {
      %mul3A_27 = arith.muli %while3A_26, %while3A : i32
      %add3A_28 = arith.addi %while3A_11, %mul3A_27 : i32
      %dma_start3A = arith.constant 0 : i32
      %dma_start3A_29 = arith.constant 0 : i32
      %dma_start3A_30 = arith.constant 0 : i32
      %dma_start3A_31 = tpu.memref_slice %arg6[%dma_start3A, %dma_start3A_29, %dma_start3A_30] : memref<2x96x128xi32, #tpu.memory_space<vmem>> -> memref<1x96x128xi32, #tpu.memory_space<vmem>>
      %dma_start3A_32 = tpu.memref_squeeze %dma_start3A_31 : memref<1x96x128xi32, #tpu.memory_space<vmem>> -> memref<96x128xi32, #tpu.memory_space<vmem>>
      %dma_start3A_33 = arith.constant 0 : i32
      %dma_start3A_34 = tpu.memref_slice %dma_start3A_32[%add3A_28, %dma_start3A_33] : memref<96x128xi32, #tpu.memory_space<vmem>> -> memref<1x128xi32, #tpu.memory_space<vmem>>
      %dma_start3A_35 = tpu.memref_squeeze %dma_start3A_34 : memref<1x128xi32, #tpu.memory_space<vmem>> -> memref<128xi32, #tpu.memory_space<vmem>>
      %dma_start3A_36 = arith.constant 0 : i32
      %dma_start3A_37 = arith.constant 0 : i32
      %dma_start3A_38 = tpu.memref_slice %arg2[%dma_start3A_36, %dma_start3A_37] : memref<10240x128xf32, #tpu.memory_space<hbm>> -> memref<10240x128xf32, #tpu.memory_space<hbm>>
      tpu.enqueue_indirect_dma source(%dma_start3A_38 : memref<10240x128xf32, #tpu.memory_space<hbm>>) target(%arg7 : memref<128x128xf32, #tpu.memory_space<vmem>>) offsets(%dma_start3A_35 : memref<128xi32, #tpu.memory_space<vmem>>) semaphore(%arg9 : memref<!tpu.dma_semaphore, #tpu.memory_space<semaphore_mem>>)
      %dma_wait3A = arith.constant 0 : i32
      %dma_wait3A_39 = arith.constant 0 : i32
      %dma_wait3A_40 = arith.constant 0 : i32
      %dma_wait3A_41 = tpu.memref_slice %arg6[%dma_wait3A, %dma_wait3A_39, %dma_wait3A_40] : memref<2x96x128xi32, #tpu.memory_space<vmem>> -> memref<1x96x128xi32, #tpu.memory_space<vmem>>
      %dma_wait3A_42 = tpu.memref_squeeze %dma_wait3A_41 : memref<1x96x128xi32, #tpu.memory_space<vmem>> -> memref<96x128xi32, #tpu.memory_space<vmem>>
      %dma_wait3A_43 = arith.constant 0 : i32
      %dma_wait3A_44 = tpu.memref_slice %dma_wait3A_42[%add3A_28, %dma_wait3A_43] : memref<96x128xi32, #tpu.memory_space<vmem>> -> memref<1x128xi32, #tpu.memory_space<vmem>>
      %dma_wait3A_45 = tpu.memref_squeeze %dma_wait3A_44 : memref<1x128xi32, #tpu.memory_space<vmem>> -> memref<128xi32, #tpu.memory_space<vmem>>
      %dma_wait3A_46 = arith.constant 0 : i32
      %dma_wait3A_47 = arith.constant 0 : i32
      %dma_wait3A_48 = tpu.memref_slice %arg2[%dma_wait3A_46, %dma_wait3A_47] : memref<10240x128xf32, #tpu.memory_space<hbm>> -> memref<10240x128xf32, #tpu.memory_space<hbm>>
      tpu.wait_indirect_dma semaphore(%arg9 : memref<!tpu.dma_semaphore, #tpu.memory_space<semaphore_mem>>) src(%dma_wait3A_48 : memref<10240x128xf32, #tpu.memory_space<hbm>>) dst(%arg7 : memref<128x128xf32, #tpu.memory_space<vmem>>)
      %run_scoped3A = arith.constant 1 : i32
      "tpu.region"() ({
        %run_scoped3A_76 = tpu.sem_alloc : memref<!tpu.dma_semaphore, #tpu.memory_space<semaphore_mem>>
        %dma_start3A_77 = arith.constant 0 : i32
        %dma_start3A_78 = arith.constant 0 : i32
        %dma_start3A_79 = tpu.memref_slice %arg6[%run_scoped3A, %dma_start3A_77, %dma_start3A_78] : memref<2x96x128xi32, #tpu.memory_space<vmem>> -> memref<1x96x128xi32, #tpu.memory_space<vmem>>
        %dma_start3A_80 = tpu.memref_squeeze %dma_start3A_79 : memref<1x96x128xi32, #tpu.memory_space<vmem>> -> memref<96x128xi32, #tpu.memory_space<vmem>>
        %dma_start3A_81 = arith.constant 0 : i32
        %dma_start3A_82 = tpu.memref_slice %dma_start3A_80[%add3A_28, %dma_start3A_81] : memref<96x128xi32, #tpu.memory_space<vmem>> -> memref<1x128xi32, #tpu.memory_space<vmem>>
        %dma_start3A_83 = tpu.memref_squeeze %dma_start3A_82 : memref<1x128xi32, #tpu.memory_space<vmem>> -> memref<128xi32, #tpu.memory_space<vmem>>
        %dma_start3A_84 = arith.constant 0 : i32
        %dma_start3A_85 = arith.constant 0 : i32
        %dma_start3A_86 = tpu.memref_slice %arg8[%dma_start3A_84, %dma_start3A_85] : memref<10240x128xf32, #tpu.memory_space<vmem_shared>> -> memref<10240x128xf32, #tpu.memory_space<vmem_shared>>
        tpu.enqueue_indirect_dma source(%arg7 : memref<128x128xf32, #tpu.memory_space<vmem>>) target(%dma_start3A_86 : memref<10240x128xf32, #tpu.memory_space<vmem_shared>>) offsets(%dma_start3A_83 : memref<128xi32, #tpu.memory_space<vmem>>) semaphore(%run_scoped3A_76 : memref<!tpu.dma_semaphore, #tpu.memory_space<semaphore_mem>>) {add = true}
        %dma_wait3A_87 = arith.constant 0 : i32
        %dma_wait3A_88 = arith.constant 0 : i32
        %dma_wait3A_89 = tpu.memref_slice %arg6[%run_scoped3A, %dma_wait3A_87, %dma_wait3A_88] : memref<2x96x128xi32, #tpu.memory_space<vmem>> -> memref<1x96x128xi32, #tpu.memory_space<vmem>>
        %dma_wait3A_90 = tpu.memref_squeeze %dma_wait3A_89 : memref<1x96x128xi32, #tpu.memory_space<vmem>> -> memref<96x128xi32, #tpu.memory_space<vmem>>
        %dma_wait3A_91 = arith.constant 0 : i32
        %dma_wait3A_92 = tpu.memref_slice %dma_wait3A_90[%add3A_28, %dma_wait3A_91] : memref<96x128xi32, #tpu.memory_space<vmem>> -> memref<1x128xi32, #tpu.memory_space<vmem>>
        %dma_wait3A_93 = tpu.memref_squeeze %dma_wait3A_92 : memref<1x128xi32, #tpu.memory_space<vmem>> -> memref<128xi32, #tpu.memory_space<vmem>>
        %dma_wait3A_94 = arith.constant 0 : i32
        %dma_wait3A_95 = arith.constant 0 : i32
        %dma_wait3A_96 = tpu.memref_slice %arg8[%dma_wait3A_94, %dma_wait3A_95] : memref<10240x128xf32, #tpu.memory_space<vmem_shared>> -> memref<10240x128xf32, #tpu.memory_space<vmem_shared>>
        tpu.wait_indirect_dma semaphore(%run_scoped3A_76 : memref<!tpu.dma_semaphore, #tpu.memory_space<semaphore_mem>>) src(%arg7 : memref<128x128xf32, #tpu.memory_space<vmem>>) dst(%dma_wait3A_96 : memref<10240x128xf32, #tpu.memory_space<vmem_shared>>)
        tpu.yield
      }) : () -> ()
      %add3A_49 = arith.constant 1 : i32
      %add3A_50 = arith.addi %add3A_28, %add3A_49 : i32
      %dma_start3A_51 = arith.constant 0 : i32
      %dma_start3A_52 = arith.constant 0 : i32
      %dma_start3A_53 = arith.constant 0 : i32
      %dma_start3A_54 = tpu.memref_slice %arg6[%dma_start3A_51, %dma_start3A_52, %dma_start3A_53] : memref<2x96x128xi32, #tpu.memory_space<vmem>> -> memref<1x96x128xi32, #tpu.memory_space<vmem>>
      %dma_start3A_55 = tpu.memref_squeeze %dma_start3A_54 : memref<1x96x128xi32, #tpu.memory_space<vmem>> -> memref<96x128xi32, #tpu.memory_space<vmem>>
      %dma_start3A_56 = arith.constant 0 : i32
      %dma_start3A_57 = tpu.memref_slice %dma_start3A_55[%add3A_50, %dma_start3A_56] : memref<96x128xi32, #tpu.memory_space<vmem>> -> memref<1x128xi32, #tpu.memory_space<vmem>>
      %dma_start3A_58 = tpu.memref_squeeze %dma_start3A_57 : memref<1x128xi32, #tpu.memory_space<vmem>> -> memref<128xi32, #tpu.memory_space<vmem>>
      %dma_start3A_59 = arith.constant 0 : i32
      %dma_start3A_60 = arith.constant 0 : i32
      %dma_start3A_61 = tpu.memref_slice %arg2[%dma_start3A_59, %dma_start3A_60] : memref<10240x128xf32, #tpu.memory_space<hbm>> -> memref<10240x128xf32, #tpu.memory_space<hbm>>
      tpu.enqueue_indirect_dma source(%dma_start3A_61 : memref<10240x128xf32, #tpu.memory_space<hbm>>) target(%arg7 : memref<128x128xf32, #tpu.memory_space<vmem>>) offsets(%dma_start3A_58 : memref<128xi32, #tpu.memory_space<vmem>>) semaphore(%arg9 : memref<!tpu.dma_semaphore, #tpu.memory_space<semaphore_mem>>)
      %dma_wait3A_62 = arith.constant 0 : i32
      %dma_wait3A_63 = arith.constant 0 : i32
      %dma_wait3A_64 = arith.constant 0 : i32
      %dma_wait3A_65 = tpu.memref_slice %arg6[%dma_wait3A_62, %dma_wait3A_63, %dma_wait3A_64] : memref<2x96x128xi32, #tpu.memory_space<vmem>> -> memref<1x96x128xi32, #tpu.memory_space<vmem>>
      %dma_wait3A_66 = tpu.memref_squeeze %dma_wait3A_65 : memref<1x96x128xi32, #tpu.memory_space<vmem>> -> memref<96x128xi32, #tpu.memory_space<vmem>>
      %dma_wait3A_67 = arith.constant 0 : i32
      %dma_wait3A_68 = tpu.memref_slice %dma_wait3A_66[%add3A_50, %dma_wait3A_67] : memref<96x128xi32, #tpu.memory_space<vmem>> -> memref<1x128xi32, #tpu.memory_space<vmem>>
      %dma_wait3A_69 = tpu.memref_squeeze %dma_wait3A_68 : memref<1x128xi32, #tpu.memory_space<vmem>> -> memref<128xi32, #tpu.memory_space<vmem>>
      %dma_wait3A_70 = arith.constant 0 : i32
      %dma_wait3A_71 = arith.constant 0 : i32
      %dma_wait3A_72 = tpu.memref_slice %arg2[%dma_wait3A_70, %dma_wait3A_71] : memref<10240x128xf32, #tpu.memory_space<hbm>> -> memref<10240x128xf32, #tpu.memory_space<hbm>>
      tpu.wait_indirect_dma semaphore(%arg9 : memref<!tpu.dma_semaphore, #tpu.memory_space<semaphore_mem>>) src(%dma_wait3A_72 : memref<10240x128xf32, #tpu.memory_space<hbm>>) dst(%arg7 : memref<128x128xf32, #tpu.memory_space<vmem>>)
      %add3A_73 = arith.constant 1 : i32
      %add3A_74 = arith.addi %add3A_28, %add3A_73 : i32
      %run_scoped3A_75 = arith.constant 1 : i32
      "tpu.region"() ({
        %run_scoped3A_76 = tpu.sem_alloc : memref<!tpu.dma_semaphore, #tpu.memory_space<semaphore_mem>>
        %dma_start3A_77 = arith.constant 0 : i32
        %dma_start3A_78 = arith.constant 0 : i32
        %dma_start3A_79 = tpu.memref_slice %arg6[%run_scoped3A_75, %dma_start3A_77, %dma_start3A_78] : memref<2x96x128xi32, #tpu.memory_space<vmem>> -> memref<1x96x128xi32, #tpu.memory_space<vmem>>
        %dma_start3A_80 = tpu.memref_squeeze %dma_start3A_79 : memref<1x96x128xi32, #tpu.memory_space<vmem>> -> memref<96x128xi32, #tpu.memory_space<vmem>>
        %dma_start3A_81 = arith.constant 0 : i32
        %dma_start3A_82 = tpu.memref_slice %dma_start3A_80[%add3A_74, %dma_start3A_81] : memref<96x128xi32, #tpu.memory_space<vmem>> -> memref<1x128xi32, #tpu.memory_space<vmem>>
        %dma_start3A_83 = tpu.memref_squeeze %dma_start3A_82 : memref<1x128xi32, #tpu.memory_space<vmem>> -> memref<128xi32, #tpu.memory_space<vmem>>
        %dma_start3A_84 = arith.constant 0 : i32
        %dma_start3A_85 = arith.constant 0 : i32
        %dma_start3A_86 = tpu.memref_slice %arg8[%dma_start3A_84, %dma_start3A_85] : memref<10240x128xf32, #tpu.memory_space<vmem_shared>> -> memref<10240x128xf32, #tpu.memory_space<vmem_shared>>
        tpu.enqueue_indirect_dma source(%arg7 : memref<128x128xf32, #tpu.memory_space<vmem>>) target(%dma_start3A_86 : memref<10240x128xf32, #tpu.memory_space<vmem_shared>>) offsets(%dma_start3A_83 : memref<128xi32, #tpu.memory_space<vmem>>) semaphore(%run_scoped3A_76 : memref<!tpu.dma_semaphore, #tpu.memory_space<semaphore_mem>>) {add = true}
        %dma_wait3A_87 = arith.constant 0 : i32
        %dma_wait3A_88 = arith.constant 0 : i32
        %dma_wait3A_89 = tpu.memref_slice %arg6[%run_scoped3A_75, %dma_wait3A_87, %dma_wait3A_88] : memref<2x96x128xi32, #tpu.memory_space<vmem>> -> memref<1x96x128xi32, #tpu.memory_space<vmem>>
        %dma_wait3A_90 = tpu.memref_squeeze %dma_wait3A_89 : memref<1x96x128xi32, #tpu.memory_space<vmem>> -> memref<96x128xi32, #tpu.memory_space<vmem>>
        %dma_wait3A_91 = arith.constant 0 : i32
        %dma_wait3A_92 = tpu.memref_slice %dma_wait3A_90[%add3A_74, %dma_wait3A_91] : memref<96x128xi32, #tpu.memory_space<vmem>> -> memref<1x128xi32, #tpu.memory_space<vmem>>
        %dma_wait3A_93 = tpu.memref_squeeze %dma_wait3A_92 : memref<1x128xi32, #tpu.memory_space<vmem>> -> memref<128xi32, #tpu.memory_space<vmem>>
        %dma_wait3A_94 = arith.constant 0 : i32
        %dma_wait3A_95 = arith.constant 0 : i32
        %dma_wait3A_96 = tpu.memref_slice %arg8[%dma_wait3A_94, %dma_wait3A_95] : memref<10240x128xf32, #tpu.memory_space<vmem_shared>> -> memref<10240x128xf32, #tpu.memory_space<vmem_shared>>
        tpu.wait_indirect_dma semaphore(%run_scoped3A_76 : memref<!tpu.dma_semaphore, #tpu.memory_space<semaphore_mem>>) src(%arg7 : memref<128x128xf32, #tpu.memory_space<vmem>>) dst(%dma_wait3A_96 : memref<10240x128xf32, #tpu.memory_space<vmem_shared>>)
        tpu.yield
      }) : () -> ()
    }
    %barrier3A_21 = arith.constant 0 : index
    tpu.barrier barrier_id(%barrier3A_21)
    %mul3A_22 = arith.constant 640 : i32
    %mul3A_23 = arith.muli %arg1, %mul3A_22 : i32
    %mul3A_24 = arith.constant 640 : i32
    %mul3A_25 = arith.muli %arg1, %mul3A_24 : i32
    "tpu.region"() ({
      %run_scoped3A = tpu.sem_alloc : memref<!tpu.dma_semaphore, #tpu.memory_space<semaphore_mem>>
      %dma_start3A = arith.constant 0 : i32
      %dma_start3A_26 = arith.constant 0 : i32
      %dma_start3A_27 = tpu.memref_slice %arg5[%arg0, %dma_start3A, %dma_start3A_26] : memref<2x10240x128xf32, #tpu.memory_space<hbm>> -> memref<1x10240x128xf32, #tpu.memory_space<hbm>>
      %dma_start3A_28 = tpu.memref_squeeze %dma_start3A_27 : memref<1x10240x128xf32, #tpu.memory_space<hbm>> -> memref<10240x128xf32, #tpu.memory_space<hbm>>
      %dma_start3A_29 = arith.constant 0 : i32
      %dma_start3A_30 = tpu.memref_slice %dma_start3A_28[%mul3A_25, %dma_start3A_29] : memref<10240x128xf32, #tpu.memory_space<hbm>> -> memref<640x128xf32, #tpu.memory_space<hbm>>
      %dma_start3A_31 = arith.constant 0 : i32
      %dma_start3A_32 = tpu.memref_slice %arg8[%mul3A_23, %dma_start3A_31] : memref<10240x128xf32, #tpu.memory_space<vmem_shared>> -> memref<640x128xf32, #tpu.memory_space<vmem_shared>>
      tpu.enqueue_dma source(%dma_start3A_32 : memref<640x128xf32, #tpu.memory_space<vmem_shared>>) target(%dma_start3A_30 : memref<640x128xf32, #tpu.memory_space<hbm>>) target_semaphore(%run_scoped3A : memref<!tpu.dma_semaphore, #tpu.memory_space<semaphore_mem>>)
      %dma_wait3A = arith.constant 0 : i32
      %dma_wait3A_33 = arith.constant 0 : i32
      %dma_wait3A_34 = tpu.memref_slice %arg5[%arg0, %dma_wait3A, %dma_wait3A_33] : memref<2x10240x128xf32, #tpu.memory_space<hbm>> -> memref<1x10240x128xf32, #tpu.memory_space<hbm>>
      %dma_wait3A_35 = tpu.memref_squeeze %dma_wait3A_34 : memref<1x10240x128xf32, #tpu.memory_space<hbm>> -> memref<10240x128xf32, #tpu.memory_space<hbm>>
      %dma_wait3A_36 = arith.constant 0 : i32
      %dma_wait3A_37 = tpu.memref_slice %dma_wait3A_35[%mul3A_25, %dma_wait3A_36] : memref<10240x128xf32, #tpu.memory_space<hbm>> -> memref<640x128xf32, #tpu.memory_space<hbm>>
      %dma_wait3A_38 = arith.constant 0 : i32
      %dma_wait3A_39 = tpu.memref_slice %arg8[%mul3A_23, %dma_wait3A_38] : memref<10240x128xf32, #tpu.memory_space<vmem_shared>> -> memref<640x128xf32, #tpu.memory_space<vmem_shared>>
      tpu.wait_dma2 semaphore(%run_scoped3A : memref<!tpu.dma_semaphore, #tpu.memory_space<semaphore_mem>>) src(%dma_wait3A_39 : memref<640x128xf32, #tpu.memory_space<vmem_shared>>) dst(%dma_wait3A_37 : memref<640x128xf32, #tpu.memory_space<hbm>>)
      tpu.yield
    }) : () -> ()
    return
  }
}

module attributes {stable_mosaic.version = 14 : i64} {
  func.func @body(%arg0: memref<2x10240x128xf32, #tpu.memory_space<vmem>>, %arg1: memref<10240x128xf32, #tpu.memory_space<vmem>>, %arg2: memref<128x128xf32, #tpu.memory_space<vmem>>, %arg3: memref<1x128xf32, #tpu.memory_space<vmem>>, %arg4: memref<128x128xf32, #tpu.memory_space<vmem>>, %arg5: memref<10240x128xf32, #tpu.memory_space<vmem>>) attributes {dimension_semantics = [], scalar_prefetch = 0 : i64, scratch_operands = 0 : i64, tpu.core_type = #tpu.core_type<tc>} {
    %get3A = arith.constant 0 : index
    %get3A_0 = arith.constant 0 : index
    %get3A_1 = arith.constant 0 : index
    %get3A_2 = vector.load %arg0[%get3A, %get3A_0, %get3A_1] : memref<2x10240x128xf32, #tpu.memory_space<vmem>>, vector<1x10240x128xf32>
    %get3A_3 = vector.shape_cast %get3A_2 : vector<1x10240x128xf32> to vector<10240x128xf32>
    %get3A_4 = arith.constant 1 : index
    %get3A_5 = arith.constant 0 : index
    %get3A_6 = arith.constant 0 : index
    %get3A_7 = vector.load %arg0[%get3A_4, %get3A_5, %get3A_6] : memref<2x10240x128xf32, #tpu.memory_space<vmem>>, vector<1x10240x128xf32>
    %get3A_8 = vector.shape_cast %get3A_7 : vector<1x10240x128xf32> to vector<10240x128xf32>
    %add3A = arith.addf %get3A_3, %get3A_8 : vector<10240x128xf32>
    %get3A_9 = arith.constant 0 : index
    %get3A_10 = arith.constant 0 : index
    %get3A_11 = vector.load %arg2[%get3A_9, %get3A_10] : memref<128x128xf32, #tpu.memory_space<vmem>>, vector<128x128xf32>
    %dot_general3A = arith.constant dense<0.000000e+00> : vector<10240x128xf32>
    %dot_general3A_12 = tpu.matmul %add3A, %get3A_11, %dot_general3A {dimension_numbers = #tpu.dot_dimension_numbers<[1], [1], [0], [0], [0, 0, 1, 0], [], []>, transpose_lhs_hint = false} : vector<10240x128xf32>, vector<128x128xf32>, vector<10240x128xf32> -> vector<10240x128xf32>
    %get3A_13 = arith.constant 0 : index
    %get3A_14 = arith.constant 0 : index
    %get3A_15 = vector.load %arg3[%get3A_13, %get3A_14] : memref<1x128xf32, #tpu.memory_space<vmem>>, vector<1x128xf32>
    %add3A_16 = vector.broadcast %get3A_15 : vector<1x128xf32> to vector<10240x128xf32>
    %add3A_17 = arith.addf %dot_general3A_12, %add3A_16 : vector<10240x128xf32>
    %get3A_18 = arith.constant 0 : index
    %get3A_19 = arith.constant 0 : index
    %get3A_20 = vector.load %arg1[%get3A_18, %get3A_19] : memref<10240x128xf32, #tpu.memory_space<vmem>>, vector<10240x128xf32>
    %get3A_21 = arith.constant 0 : index
    %get3A_22 = arith.constant 0 : index
    %get3A_23 = vector.load %arg4[%get3A_21, %get3A_22] : memref<128x128xf32, #tpu.memory_space<vmem>>, vector<128x128xf32>
    %dot_general3A_24 = arith.constant dense<0.000000e+00> : vector<10240x128xf32>
    %dot_general3A_25 = tpu.matmul %get3A_20, %get3A_23, %dot_general3A_24 {dimension_numbers = #tpu.dot_dimension_numbers<[1], [1], [0], [0], [0, 0, 1, 0], [], []>, transpose_lhs_hint = false} : vector<10240x128xf32>, vector<128x128xf32>, vector<10240x128xf32> -> vector<10240x128xf32>
    %add3A_26 = arith.addf %add3A_17, %dot_general3A_25 : vector<10240x128xf32>
    %max3A = arith.constant 0.000000e+00 : f32
    %max3A_27 = vector.broadcast %max3A : f32 to vector<10240x128xf32>
    %max3A_28 = arith.maximumf %add3A_26, %max3A_27 : vector<10240x128xf32>
    %swap3A = arith.constant 0 : index
    %swap3A_29 = arith.constant 0 : index
    %swap3A_30 = vector.load %arg5[%swap3A, %swap3A_29] : memref<10240x128xf32, #tpu.memory_space<vmem>>, vector<10240x128xf32>
    tpu.vector_store %arg5[%swap3A, %swap3A_29], %max3A_28 {strides = array<i32>} : memref<10240x128xf32, #tpu.memory_space<vmem>>, vector<10240x128xf32>,
    return
  }
}

module attributes {stable_mosaic.version = 14 : i64} {
  func.func @body(%arg0: memref<2x10240x128xf32, #tpu.memory_space<vmem>>, %arg1: memref<10240x128xf32, #tpu.memory_space<vmem>>, %arg2: memref<128x128xf32, #tpu.memory_space<vmem>>, %arg3: memref<1x128xf32, #tpu.memory_space<vmem>>, %arg4: memref<128x128xf32, #tpu.memory_space<vmem>>, %arg5: memref<1x10240xi32, #tpu.memory_space<vmem>>, %arg6: memref<128x128xf32, #tpu.memory_space<vmem>>, %arg7: memref<1x128xf32, #tpu.memory_space<vmem>>, %arg8: memref<1x128xf32, #tpu.memory_space<vmem>>, %arg9: memref<1x1xf32, #tpu.memory_space<vmem>>, %arg10: memref<64x1xf32, #tpu.memory_space<vmem>>) attributes {dimension_semantics = [], scalar_prefetch = 0 : i64, scratch_operands = 0 : i64, tpu.core_type = #tpu.core_type<tc>} {
    %get3A = arith.constant 0 : index
    %get3A_0 = arith.constant 0 : index
    %get3A_1 = arith.constant 0 : index
    %get3A_2 = vector.load %arg0[%get3A, %get3A_0, %get3A_1] : memref<2x10240x128xf32, #tpu.memory_space<vmem>>, vector<1x10240x128xf32>
    %get3A_3 = vector.shape_cast %get3A_2 : vector<1x10240x128xf32> to vector<10240x128xf32>
    %get3A_4 = arith.constant 1 : index
    %get3A_5 = arith.constant 0 : index
    %get3A_6 = arith.constant 0 : index
    %get3A_7 = vector.load %arg0[%get3A_4, %get3A_5, %get3A_6] : memref<2x10240x128xf32, #tpu.memory_space<vmem>>, vector<1x10240x128xf32>
    %get3A_8 = vector.shape_cast %get3A_7 : vector<1x10240x128xf32> to vector<10240x128xf32>
    %add3A = arith.addf %get3A_3, %get3A_8 : vector<10240x128xf32>
    %get3A_9 = arith.constant 0 : index
    %get3A_10 = arith.constant 0 : index
    %get3A_11 = vector.load %arg2[%get3A_9, %get3A_10] : memref<128x128xf32, #tpu.memory_space<vmem>>, vector<128x128xf32>
    %dot_general3A = arith.constant dense<0.000000e+00> : vector<10240x128xf32>
    %dot_general3A_12 = tpu.matmul %add3A, %get3A_11, %dot_general3A {dimension_numbers = #tpu.dot_dimension_numbers<[1], [1], [0], [0], [0, 0, 1, 0], [], []>, transpose_lhs_hint = false} : vector<10240x128xf32>, vector<128x128xf32>, vector<10240x128xf32> -> vector<10240x128xf32>
    %get3A_13 = arith.constant 0 : index
    %get3A_14 = arith.constant 0 : index
    %get3A_15 = vector.load %arg3[%get3A_13, %get3A_14] : memref<1x128xf32, #tpu.memory_space<vmem>>, vector<1x128xf32>
    %add3A_16 = vector.broadcast %get3A_15 : vector<1x128xf32> to vector<10240x128xf32>
    %add3A_17 = arith.addf %dot_general3A_12, %add3A_16 : vector<10240x128xf32>
    %get3A_18 = arith.constant 0 : index
    %get3A_19 = arith.constant 0 : index
    %get3A_20 = vector.load %arg1[%get3A_18, %get3A_19] : memref<10240x128xf32, #tpu.memory_space<vmem>>, vector<10240x128xf32>
    %get3A_21 = arith.constant 0 : index
    %get3A_22 = arith.constant 0 : index
    %get3A_23 = vector.load %arg4[%get3A_21, %get3A_22] : memref<128x128xf32, #tpu.memory_space<vmem>>, vector<128x128xf32>
    %dot_general3A_24 = arith.constant dense<0.000000e+00> : vector<10240x128xf32>
    %dot_general3A_25 = tpu.matmul %get3A_20, %get3A_23, %dot_general3A_24 {dimension_numbers = #tpu.dot_dimension_numbers<[1], [1], [0], [0], [0, 0, 1, 0], [], []>, transpose_lhs_hint = false} : vector<10240x128xf32>, vector<128x128xf32>, vector<10240x128xf32> -> vector<10240x128xf32>
    %add3A_26 = arith.addf %add3A_17, %dot_general3A_25 : vector<10240x128xf32>
    %max3A = arith.constant 0.000000e+00 : f32
    %max3A_27 = vector.broadcast %max3A : f32 to vector<10240x128xf32>
    %max3A_28 = arith.maximumf %add3A_26, %max3A_27 : vector<10240x128xf32>
    %get3A_29 = arith.constant 0 : index
    %get3A_30 = arith.constant 0 : index
    %get3A_31 = vector.load %arg5[%get3A_29, %get3A_30] : memref<1x10240xi32, #tpu.memory_space<vmem>>, vector<1x10240xi32>
    %iota3A = tpu.iota {dimensions = array<i32: 0>} : vector<64x10240xi32>
    %eq3A = vector.broadcast %get3A_31 : vector<1x10240xi32> to vector<64x10240xi32>
    %eq3A_32 = arith.cmpi eq, %iota3A, %eq3A : vector<64x10240xi32>
    %convert_element_type3A = arith.extui %eq3A_32 : vector<64x10240xi1> to vector<64x10240xi32>
    %convert_element_type3A_33 = arith.sitofp %convert_element_type3A : vector<64x10240xi32> to vector<64x10240xf32>
    %dot_general3A_34 = arith.constant dense<0.000000e+00> : vector<64x128xf32>
    %dot_general3A_35 = tpu.matmul %convert_element_type3A_33, %max3A_28, %dot_general3A_34 {dimension_numbers = #tpu.dot_dimension_numbers<[1], [0], [0], [1], [0, 0, 1, 1], [], []>, precision = #tpu.contract_precision<fp32>, transpose_lhs_hint = false} : vector<64x10240xf32>, vector<10240x128xf32>, vector<64x128xf32> -> vector<64x128xf32>
    %get3A_36 = arith.constant 0 : index
    %get3A_37 = arith.constant 0 : index
    %get3A_38 = vector.load %arg6[%get3A_36, %get3A_37] : memref<128x128xf32, #tpu.memory_space<vmem>>, vector<128x128xf32>
    %dot_general3A_39 = arith.constant dense<0.000000e+00> : vector<64x128xf32>
    %dot_general3A_40 = tpu.matmul %dot_general3A_35, %get3A_38, %dot_general3A_39 {dimension_numbers = #tpu.dot_dimension_numbers<[1], [1], [0], [0], [0, 0, 1, 0], [], []>, transpose_lhs_hint = false} : vector<64x128xf32>, vector<128x128xf32>, vector<64x128xf32> -> vector<64x128xf32>
    %get3A_41 = arith.constant 0 : index
    %get3A_42 = arith.constant 0 : index
    %get3A_43 = vector.load %arg7[%get3A_41, %get3A_42] : memref<1x128xf32, #tpu.memory_space<vmem>>, vector<1x128xf32>
    %add3A_44 = vector.broadcast %get3A_43 : vector<1x128xf32> to vector<64x128xf32>
    %add3A_45 = arith.addf %dot_general3A_40, %add3A_44 : vector<64x128xf32>
    %max3A_46 = arith.constant 0.000000e+00 : f32
    %max3A_47 = vector.broadcast %max3A_46 : f32 to vector<64x128xf32>
    %max3A_48 = arith.maximumf %add3A_45, %max3A_47 : vector<64x128xf32>
    %get3A_49 = arith.constant 0 : index
    %get3A_50 = arith.constant 0 : index
    %get3A_51 = vector.load %arg8[%get3A_49, %get3A_50] : memref<1x128xf32, #tpu.memory_space<vmem>>, vector<1x128xf32>
    %mul3A = vector.broadcast %get3A_51 : vector<1x128xf32> to vector<64x128xf32>
    %mul3A_52 = arith.mulf %max3A_48, %mul3A : vector<64x128xf32>
    %reduce_sum3A = arith.constant dense<0.000000e+00> : vector<64xf32>
    %reduce_sum3A_53 = vector.multi_reduction <add>, %mul3A_52, %reduce_sum3A [1] : vector<64x128xf32> to vector<64xf32>
    %broadcast_in_dim3A = vector.shape_cast %reduce_sum3A_53 : vector<64xf32> to vector<64x1xf32>
    %get3A_54 = arith.constant 0 : index
    %get3A_55 = arith.constant 0 : index
    %get3A_56 = vector.load %arg9[%get3A_54, %get3A_55] : memref<1x1xf32, #tpu.memory_space<vmem>>, vector<1x1xf32>
    %add3A_57 = vector.broadcast %get3A_56 : vector<1x1xf32> to vector<64x1xf32>
    %add3A_58 = arith.addf %broadcast_in_dim3A, %add3A_57 : vector<64x1xf32>
    %swap3A = arith.constant 0 : index
    %swap3A_59 = arith.constant 0 : index
    %swap3A_60 = vector.load %arg10[%swap3A, %swap3A_59] : memref<64x1xf32, #tpu.memory_space<vmem>>, vector<64x1xf32>
    tpu.vector_store %arg10[%swap3A, %swap3A_59], %add3A_58 {strides = array<i32>} : memref<64x1xf32, #tpu.memory_space<vmem>>, vector<64x1xf32>,
    return
  }
}

</mosaic_0001>

<sc_bundles>
// kernel: kernel.11.cloned.1.call-start
scs
__scs_entry_jumppad:
0x0: {  	(pc) =	sbr.rel $0x88, $3  }
0x1: {  	(tag) =	ssettag $0x0;
	lr =	simm.s32 $0x1  }
0x2: {  	[smem:$0x3F91] =	sst lr;
	_ =	strace $0xD0000000  }
0x3: {  	_ = 	snop  }
0x4: {  	_ = 	snop  }
0x5: {  	_ = 	snop  }
0x6: {  	_ = 	snop  }
0x7: {  	_ = 	snop  }
__scs_overlays_trampoline_lowered:
0x8: {  	[smem:$0x3FA0] =	sst s0  }
0x9: {  	[smem:$0x3FA1] =	sst s1  }
0xa: {  	[smem:$0x3FA2] =	sst s2  }
0xb: {  	[smem:$0x3FA3] =	sst s3  }
0xc: {  	[smem:$0x3FA4] =	sst s4  }
0xd: {  	[smem:$0x3FA5] =	sst s5  }
0xe: {  	[smem:$0x3FA6] =	sst s6  }
0xf: {  	[smem:$0x3FA7] =	sst s7  }
0x10: {  	[smem:$0x3FA8] =	sst s8  }
0x11: {  	[smem:$0x3FA9] =	sst s9;
	s0 =	simm.s32 @!p0 $0x0  }
0x12: {  	s1 =	sld [smem:$0x3F8F];
	s0 =	simm.s32 @p0 $0x1  }
0x13: {  	[smem:$0x3FAA] =	sst s0;
	s0 =	simm.s32 @!p1 $0x0  }
0x14: {  	s2 =	sld [smem:$0x3F8E];
	s0 =	simm.s32 @p1 $0x1  }
0x15: {  	[smem:$0x3FAB] =	sst s0;
	s0 =	simm.s32 @!p2 $0x0  }
0x16: {  	s3 =	sld [smem:$0x3FDB];
	s0 =	simm.s32 @p2 $0x1  }
0x17: {  	s4 =	simm.s32 $0x1BF5;
	[smem:$0x3FAD] =	sst s0  }
0x18: {  	s0 =	sld [smem:$0x3F90];
	_ =	swait.ge [sflag:s4], $0x0  }
0x19: {  	s7 =	sld [smem:$0x3F91]  }
0x1a: {  	s8 =	sadd.s32 $0xFFFFE003, lr  }
0x1b: {  	s9 =	sadd.s32 $0xFFFFFEF7, lr;
	s5 =	simm.s32 $0xFFFFFFFF;
	p2 =	slt.u32 s8, $0xFFFFF086  }
0x1c: {  	p1 =	slt.u32 s9, $0xF7A;
	s5 =	simm.s32 @!p2 $0x0  }
0x1d: {  	s5 =	simm.s32 @p1 $0x1;
	p0 =	seq.s32 s7, s2  }
0x1e: {  	s7 =	smul.u32 @!p0 $0xF7A, s2;
	p2 =	seq.s32 @!p0 s5, $0x0  }
0x1f: {  	s9 =	smul.u32 $0xF7A, s1;
	s8 =	simm.s32 @!p0 $0x1BF5;
	p2 =	por !p2, p0  }
0x20: {  	[sflag:s8] =	ssyncset.s32 @!p0 $0xFFFFF086;
	s6 =	sadd.s32 @!p0 s3, s7;
	s7 =	simm.s32 @!p0 $0x108  }
0x21: {  	s3 =	sadd.s32 s3, s9;
	s6 =	sadd.s32 @!p0 $0x88, s6;
	s7 =	simm.s32 @p2 $0x1082  }
0x22: {  	[simem:s7], [sflag:s8] =	dma.local @!p0 [hbm:s6], $0xF7A  }
0x23: {  	s9 =	sor.u32 $0xD0000000, s2;
	s6 =	simm.s32 $0x108;
	_ =	swait.ge @!p0 [sflag:s8], $0x0  }
0x24: {  	s3 =	sadd.s32 $0x88, s3;
	s6 =	simm.s32 @!p1 $0x1082;
	[sflag:s4] =	ssyncset.s32 $0xFFFFF086  }
0x25: {  	[simem:s6], [sflag:s4] =	dma.local [hbm:s3], $0xF7A  }
0x26: {  	[smem:$0x3F91] =	sst s1;
	(tag) =	ssettag s2;
	_ =	strace s9  }
0x27: {  	s1 =	sld [smem:$0x3FA1]  }
0x28: {  	s2 =	sld [smem:$0x3FA2]  }
0x29: {  	s4 =	sld [smem:$0x3FA4]  }
0x2a: {  	p0 =	seq.s32 s5, $0x0;
	s5 =	sld [smem:$0x3FA5]  }
0x2b: {  	s6 =	sld [smem:$0x3FA6]  }
0x2c: {  	s7 =	sld [smem:$0x3FA7]  }
0x2d: {  	s3 =	simm.s32 $0x108;
	s8 =	sld [smem:$0x3FA8]  }
0x2e: {  	s3 =	simm.s32 @!p0 $0x1082;
	s9 =	sld [smem:$0x3FA9]  }
0x2f: {  	lr =	sadd.s32 s0, s3;
	s0 =	sld [smem:$0x3FA0]  }
0x30: {  	s3 =	sld [smem:$0x3FA3]  }
0x31: {  	[smem:$0x3FAC] =	sst s10  }
0x32: {  	s10 =	sld [smem:$0x3FAA];
	_ =	sdelay $0x3  }
0x33: {  	p0 =	seq.s32 s10, $0x1;
	s10 =	sld [smem:$0x3FAC];
	_ =	sdelay $0x3  }
0x34: {  	[smem:$0x3FAC] =	sst s10  }
0x35: {  	s10 =	sld [smem:$0x3FAB];
	_ =	sdelay $0x3  }
0x36: {  	p1 =	seq.s32 s10, $0x1;
	s10 =	sld [smem:$0x3FAC];
	_ =	sdelay $0x3  }
0x37: {  	[smem:$0x3FAC] =	sst s10  }
0x38: {  	s10 =	sld [smem:$0x3FAD]  }
0x39: {  	_ = 	snop;
	(pc) =	sbr.ind lr, $3  }
0x3a: {  	_ = 	snop  }
0x3b: {  	_ = 	snop  }
0x3c: {  	p2 =	seq.s32 s10, $0x1;
	s10 =	sld [smem:$0x3FAC]  }
0x3d: {  	_ =	shalt  }
0x3e: {  	_ =	shalt  }
0x3f: {  	_ =	shalt  }
0x40: {  	_ =	shalt  }
0x41: {  	_ =	shalt  }
0x42: {  	_ =	shalt  }
0x43: {  	_ =	shalt  }
0x44: {  	_ =	shalt  }
0x45: {  	_ =	shalt  }
0x46: {  	_ =	shalt  }
0x47: {  	_ =	shalt  }
0x48: {  	_ =	shalt  }
0x49: {  	_ =	shalt  }
0x4a: {  	_ =	shalt  }
0x4b: {  	_ =	shalt  }
0x4c: {  	_ =	shalt  }
0x4d: {  	_ =	shalt  }
0x4e: {  	_ =	shalt  }
0x4f: {  	_ =	shalt  }
0x50: {  	_ =	shalt  }
0x51: {  	_ =	shalt  }
0x52: {  	_ =	shalt  }
0x53: {  	_ =	shalt  }
0x54: {  	_ =	shalt  }
0x55: {  	_ =	shalt  }
0x56: {  	_ =	shalt  }
0x57: {  	_ =	shalt  }
0x58: {  	_ =	shalt  }
0x59: {  	_ =	shalt  }
0x5a: {  	_ =	shalt  }
0x5b: {  	_ =	shalt  }
0x5c: {  	_ =	shalt  }
0x5d: {  	_ =	shalt  }
0x5e: {  	_ =	shalt  }
0x5f: {  	_ =	shalt  }
0x60: {  	_ =	shalt  }
0x61: {  	_ =	shalt  }
0x62: {  	_ =	shalt  }
0x63: {  	_ =	shalt  }
0x64: {  	_ =	shalt  }
0x65: {  	_ =	shalt  }
0x66: {  	_ =	shalt  }
0x67: {  	_ =	shalt  }
0x68: {  	_ =	shalt  }
0x69: {  	_ =	shalt  }
0x6a: {  	_ =	shalt  }
0x6b: {  	_ =	shalt  }
0x6c: {  	_ =	shalt  }
0x6d: {  	_ =	shalt  }
0x6e: {  	_ =	shalt  }
0x6f: {  	_ =	shalt  }
0x70: {  	_ =	shalt  }
0x71: {  	_ =	shalt  }
0x72: {  	_ =	shalt  }
0x73: {  	_ =	shalt  }
0x74: {  	_ =	shalt  }
0x75: {  	_ =	shalt  }
0x76: {  	_ =	shalt  }
0x77: {  	_ =	shalt  }
0x78: {  	_ =	shalt  }
0x79: {  	_ =	shalt  }
0x7a: {  	_ =	shalt  }
0x7b: {  	_ =	shalt  }
0x7c: {  	_ =	shalt  }
0x7d: {  	_ =	shalt  }
0x7e: {  	_ =	shalt  }
0x7f: {  	_ =	shalt  }
0x80: {  	_ =	shalt  }
0x81: {  	_ =	shalt  }
0x82: {  	_ =	shalt  }
0x83: {  	_ =	shalt  }
0x84: {  	_ =	shalt  }
0x85: {  	_ =	shalt  }
0x86: {  	_ =	shalt  }
0x87: {  	_ =	shalt  }
.Lfunc_end0:
.L_simem_size_0:
called_computation.1_lowered:
.L_overlay_start_0:
0x88: {  	s2 =	sld [smem:$0x3FD9]  }
0x89: {  	s3 =	sld [smem:$0x3FFE];
	_ =	sdelay $0x1  }
0x8a: {  	s1 =	srdreg.scid  }
0x8b: {  	s0 =	sand.u32 $0x1, s1  }
0x8c: {  	s16 =	sshll.u32 s0, $0xA;
	s2 =	sadd.s32 s3, s2  }
0x8d: {  	s2 =	sadd.s32 s2, s16  }
0x8e: {  	[smem:$0x3FB8] =	sst s2  }
0x8f: {  	_ = 	snop  }
0x90: {  	(tm) =	ssettm $0x1  }
0x91: {  	s17 =	sld [smem:$0x3FFB];
	_ =	sdelay $0x3  }
0x92: {  	_ =	strace s17  }
0x93: {  	s2 =	sld [smem:$0x3FFC];
	_ =	sdelay $0x3  }
0x94: {  	_ =	strace s2  }
0x95: {  	s2 =	sld [smem:$0x3FFD];
	_ =	sdelay $0x3  }
0x96: {  	_ =	strace s2  }
0x97: {  	_ =	strace $0x8FFFFFFF  }
0x98: {  	s18 =	sld [smem:$0x3FDB];
	_ =	sdelay $0x1  }
0x99: {  	s19 =	simm.s32 $_scs_section_size  }
0x9a: {  	s4 =	simm.s32 $_size__tile_overlayer_lowered;
	s5 =	simm.s32 $_tile_overlayer_lowered  }
0x9b: {  	s22 =	simm.s32 $0x1BFF;
	s21 =	sshll.u32 s5, $0x1;
	s2 =	sadd.s32 s19, s18  }
0x9c: {  	s6 =	simm.s32 $0x0;
	s20 =	sshll.u32 s4, $0x1;
	s4 =	sadd.s32 s21, s2  }
0x9d: {  	[timem:s6], [sflag:s22] =	dma.local [hbm:s4], s20  }
0x9e: {  	_ =	swait.ge [sflag:s22], s20  }
0x9f: {  	s3 =	ssub.s32 $0x0, s20;
	[sflag:s22] =	ssyncset.done $0x0  }
0xa0: {  	[sflag:s22] =	ssyncadd.s32 s3;
	_ =	sdelay $0x1  }
0xa1: {  	s23 =	simm.s32 $0x1B8B  }
0xa2: {  	_ =	swait.ge [sflag:s23], $0x1  }
0xa3: {  	[sflag:s23] =	ssyncset.done $0x0  }
0xa4: {  	s25 =	simm.s32 $0x1B8E;
	s24 =	sld [smem:$0x3FFE];
	[sflag:s23] =	ssyncadd.s32 $0xFFFFFFFF  }
0xa5: {  	s26 =	simm.s32 $execute0_lowered;
	[smem:$0x3FD2] =	sst s25  }
0xa6: {  	s4 =	sshll.u32 s26, $0x1;
	_ =	strace $0x80000049;
	[dreg:$0x1] =	wrdreg $0xFFFFFFFF  }
0xa7: {  	s28 =	simm.s32 $_size_execute0_lowered;
	s2 =	sadd.s32 s2, s4;
	[dreg:$0x0] =	wrdreg $0x0  }
0xa8: {  	s4 =	sshll.u32 s28, $0x1;
	[dreg:$0x2] =	wrdreg s2  }
0xa9: {  	[dreg:$0x3] =	wrdreg s4  }
0xaa: {  	[dreg:$0x4] =	wrdreg $0xC0  }
0xab: {  	_ =	task [dreg:s6], $0x5FFFF  }
0xac: {  	[dreg:$0x1] =	wrdreg $0xFFFFFFFF  }
0xad: {  	[dreg:$0x0] =	wrdreg $0x60  }
0xae: {  	[dreg:$0x2] =	wrdreg s24  }
0xaf: {  	[dreg:$0x3] =	wrdreg $0xA0000  }
0xb0: {  	[dreg:$0x4] =	wrdreg $0x9  }
0xb1: {  	_ =	task.clear_ibuf [dreg:s6], $0x5FFFF;
	_ =	strace $0x90000049  }
0xb2: {  	s29 =	simm.s32 $0x9;
	_ =	strace $0x8000004B  }
0xb3: {  	_ =	swait.ge [sflag:s29], $0x1  }
0xb4: {  	[sflag:s29] =	ssyncadd.s32 $0xFFFFFFFF  }
0xb5: {  	_ =	strace $0x9000004B  }
0xb6: {  	_ =	sfence  }
0xb7: {  	s30 =	sld [smem:$0x0];
	_ =	sdelay $0x2  }
0xb8: {  	s31 =	sshll.u32 s1, $0xD;
	s1 =	sshrl.u32 s1, $0x2  }
0xb9: {  	s3 =	sand.u32 $0x4000, s31;
	s1 =	sadd.s32 s1, s30  }
0xba: {  	s0 =	sor.u32 s3, s0;
	s1 =	sshll.u32 s1, $0x11  }
0xbb: {  	s0 =	sor.u32 s1, s0  }
0xbc: {  	s0 =	sadd.s32 $0x8F2B, s0  }
0xbd: {  	[sflag:s0] =	ssyncadd.remote.s32 $0x1  }
0xbe: {  	_ =	sfence.sel $0xFFFF  }
0xbf: {  	[dreg:$0x0] =	wrdreg $0xFFFFFFFF;
	(pc) =	sbr.abs _section_cstart, $3  }
0xc0: {  	[dreg:$0x1] =	wrdreg $0xFFFFFFFF  }
0xc1: {  	_ =	task.clear_ibuf [dreg:s6], $0x2FFFF;
	_ =	strace $0x9FFFFFFF  }
0xc2: {  	(tm) =	ssettm $0x7FFFFFFF  }
0xc3: {  	_ =	shalt  }
tec
execute0_lowered:
.L_overlay_start_1:
0x0: {  	(tag) =	ssettag $0x1  }
0x1: {  	s6 =	rddreg [dreg:$0x0]  }
0x2: {  	s2 =	rddreg [dreg:$0x1]  }
0x3: {  	s0 =	rddreg [dreg:$0x2]  }
0x4: {  	s4 =	srdreg.scid;
	s1 =	stileid.u32;
	s3 =	simm.s32 $0x0  }
0x5: {  	s13 =	simm.s32 $0x6000;
	s14 =	simm.s32 $0x1;
	s7 =	sand.u32 $0x1, s4  }
0x6: {  	s29 =	sshll.u32 s1, $0x1;
	[smem:$0x7FF] =	sst s3;
	s12 =	smul.u32 $0x50000, s1  }
0x7: {  	s16 =	smul.u32 $0x2800, s1;
	s31 =	sshll.u32 s1, $0x6;
	s4 =	sor.u32 s7, s29  }
0x8: {  	_ =	strace $0x8000004A;
	s8 =	smul.u32 $0x28000, s7;
	s9 =	ssub.s32 $0x2, s7  }
0x9: {  	p0 =	seq.s32 s7, $0x0;
	s5 =	smul.u32 $0xC00, s4;
	s4 =	sadd.s32 $0x1C200, s6  }
0xa: {  	s11 =	sshrl.u32 s9, $0x1;
	s30 =	sshrl.u32 s12, $0x2;
	s12 =	simm.s32 $0x80  }
0xb: {  	s8 =	sadd.s32 s8, s6;
	s9 =	ssub.s32 s9, s11;
	s11 =	sadd.s32 s30, s2  }
0xc: {  	s10 =	sadd.s32 s5, s6;
	s5 =	sadd.s32 $0x44200, s6;
	s6 =	simm.s32 $0x30  }
0xd: {  	s15 =	sadd.s32 $0x46A00, s8;
	s8 =	smax.u32 s9, $0x1;
	s9 =	simm.s32 $0x2  }
0xe: {  	s11 =	sshrl.u32 s11, $0x3;
	s7 =	sadd.s32 $0x4200, s10;
	s6 =	simm.s32 @!p0 $0x1F  }
0xf: {  	s10 =	sor.u32 $0x1C02, s31;
	s15 =	sadd.s32 s16, s15;
	s16 =	simm.s32 $0x0  }
.LBB2_1:
0x10: {  	[tilespmem:s3], [sflag:$0x2] =	stream.linear.gather [hbm4b:s7+s3], $0x6000, $0x38;
	[tilespmem:$0x1E000] =	vst v63  }
0x11: {  	_ =	swait.ge [sflag:s9], $0x6000  }
0x12: {  	[sflag:s9] =	ssyncset.done $0x0  }
0x13: {  	[sflag:s9] =	ssyncadd.s32 $0xFFFFA000  }
0x14: {  	[spmem:s11], [sflag:s10] =	dma.local [hbm:s5], $0x2800  }
0x15: {  	_ =	swait.ge [sflag:s9], $0x2800  }
0x16: {  	[sflag:s9] =	ssyncset.done $0x0  }
0x17: {  	[sflag:s9] =	ssyncadd.s32 $0xFFFFD800  }
0x18: {  	[bflag:$0x0] =	sbarrier.arrive $0xFFFF  }
0x19: {  	[tilespmem:s13], [sflag:$0x1] =	stream.indirect.gather [hbm4b:s4+s12], $0x80, s3, s12, $0xb8;
	[tilespmem:$0x1E000] =	vst v63  }
0x1a: {  	_ =	swait.ge [sflag:s14], $0x4000  }
0x1b: {  	[sflag:s14] =	ssyncset.done $0x0  }
0x1c: {  	s17 =	simm.s32 $0x3000;
	[sflag:s14] =	ssyncadd.s32 $0xFFFFC000  }
0x1d: {  	[spmem:s2] =	stream.indirect.scatter.add.f32 [tilespmem:s13], [sflag:$0x2], $0x80, s17, s12, $0xb8;
	[tilespmem:$0x1E000] =	vst v63  }
0x1e: {  	_ =	swait.ge [sflag:s9], $0x4000  }
0x1f: {  	[sflag:s9] =	ssyncset.done $0x0  }
0x20: {  	s30 =	simm.s32 $0x80;
	[sflag:s9] =	ssyncadd.s32 $0xFFFFC000  }
0x21: {  	[tilespmem:s13], [sflag:$0x1] =	stream.indirect.gather [hbm4b:s4+s12], $0x80, s30, s12, $0xb8;
	[tilespmem:$0x1E000] =	vst v63  }
0x22: {  	p0 =	sne.s32 s6, $0x1;
	_ =	swait.ge [sflag:s14], $0x4000  }
.Ltmp0:
0x23: {  	[sflag:s14] =	ssyncset.done $0x0;
	(pc) =	sbr.rel @!p0 .LBB2_3-.Ltmp0, $4  }
0x24: {  	s31 =	simm.s32 $0x3080;
	[sflag:s14] =	ssyncadd.s32 $0xFFFFC000  }
0x25: {  	[spmem:s2] =	stream.indirect.scatter.add.f32 [tilespmem:s13], [sflag:$0x2], $0x80, s31, s12, $0xb8;
	[tilespmem:$0x1E000] =	vst v63  }
0x26: {  	_ =	swait.ge [sflag:s9], $0x4000  }
0x27: {  	s18 =	simm.s32 $0x0;
	s17 =	sadd.s32 $0xFFFFFFFF, s6;
	[sflag:s9] =	ssyncset.done $0x0  }
.LBB2_2:
0x28: {  	p0 =	sne.s32 s17, $0x1;
	[sflag:s9] =	ssyncadd.s32 $0xFFFFC000;
	s18 =	sadd.s32 $0x100, s18  }
0x29: {  	[tilespmem:s13], [sflag:$0x1] =	stream.indirect.gather [hbm4b:s4+s12], $0x80, s18, s12, $0xb8;
	[tilespmem:$0x1E000] =	vst v63  }
0x2a: {  	s17 =	sadd.s32 $0xFFFFFFFF, s17;
	_ =	swait.ge [sflag:s14], $0x4000  }
0x2b: {  	[sflag:s14] =	ssyncset.done $0x0  }
0x2c: {  	s19 =	sadd.s32 $0x3000, s18;
	[sflag:s14] =	ssyncadd.s32 $0xFFFFC000  }
0x2d: {  	[spmem:s2] =	stream.indirect.scatter.add.f32 [tilespmem:s13], [sflag:$0x2], $0x80, s19, s12, $0xb8;
	[tilespmem:$0x1E000] =	vst v63  }
0x2e: {  	_ =	swait.ge [sflag:s9], $0x4000  }
0x2f: {  	[sflag:s9] =	ssyncset.done $0x0  }
0x30: {  	s19 =	sadd.s32 $0x80, s18;
	[sflag:s9] =	ssyncadd.s32 $0xFFFFC000  }
0x31: {  	[tilespmem:s13], [sflag:$0x1] =	stream.indirect.gather [hbm4b:s4+s12], $0x80, s19, s12, $0xb8;
	[tilespmem:$0x1E000] =	vst v63  }
0x32: {  	_ =	swait.ge [sflag:s14], $0x4000  }
.Ltmp1:
0x33: {  	[sflag:s14] =	ssyncset.done $0x0;
	(pc) =	sbr.rel @p0 .LBB2_2-.Ltmp1, $4  }
0x34: {  	s19 =	sadd.s32 $0x3080, s18;
	[sflag:s14] =	ssyncadd.s32 $0xFFFFC000  }
0x35: {  	[spmem:s2] =	stream.indirect.scatter.add.f32 [tilespmem:s13], [sflag:$0x2], $0x80, s19, s12, $0xb8;
	[tilespmem:$0x1E000] =	vst v63  }
0x36: {  	_ =	swait.ge [sflag:s9], $0x4000  }
0x37: {  	[sflag:s9] =	ssyncset.done $0x0  }
.LBB2_3:
0x38: {  	s16 =	sadd.s32 $0x1, s16  }
0x39: {  	[sflag:s9] =	ssyncadd.s32 $0xFFFFC000;
	p0 =	sne.s32 s16, s8  }
.Ltmp2:
0x3a: {  	[bflag:$0x0] =	sbarrier.arrive $0xFFFF;
	(pc) =	sbr.rel @p0 .LBB2_1-.Ltmp2, $4  }
0x3b: {  	[hbm:s15], [sflag:s10] =	dma.local [spmem:s11], $0x2800  }
0x3c: {  	_ =	swait.ge [sflag:s9], $0x2800  }
0x3d: {  	[sflag:s9] =	ssyncset.done $0x0  }
0x3e: {  	[sflag:s9] =	ssyncadd.s32 $0xFFFFD800  }
0x3f: {  	_ =	sfence.sel $0x180000  }
0x40: {  	[bflag:$0x0] =	sbarrier.arrive $0xFFFF  }
0x41: {  	p0 =	sne.s32 s1, $0x0;
	_ =	strace $0x9000004A  }
0x42: {  	s0 =	sadd.s32 @!p0 $0x100000, s0;
	[bflag:$0x2] =	sbarrier.arrive $0xFFFF  }
0x43: {  	[sflag:s0] =	ssyncadd.tile.s32 @!p0 $0x1;
	_ =	shalt  }
.Lfunc_end2:
_tile_overlayer_lowered:
.L_overlay_start_2:
0x44: {  	(tag) =	ssettag $0x2  }
0x45: {  	s0 =	rddreg [dreg:$0x0];
	s2 =	stileid.u32  }
0x46: {  	s1 =	rddreg [dreg:$0x1];
	p0 =	sne.s32 s2, $0x0  }
0x47: {  	s3 =	rddreg [dreg:$0x2];
	[bflag:$0x3] =	sbarrier.arrive $0xFFFF;
	s2 =	simm.s32 @!p0 $0x1C02  }
0x48: {  	[timem:s3], [sflag:s2] =	dma.local @!p0 [hbm:s0], s1  }
0x49: {  	s0 =	simm.s32 @!p0 $0x2  }
0x4a: {  	_ =	swait.ge @!p0 [sflag:s0], s1  }
0x4b: {  	s1 =	ssub.s32 @!p0 $0x0, s1;
	[sflag:s0] =	ssyncset.done @!p0 $0x0  }
0x4c: {  	[sflag:s0] =	ssyncadd.s32 @!p0 s1  }
0x4d: {  	[bflag:$0x3] =	sbarrier.arrive $0xFFFF  }
0x4e: {  	_ =	shalt  }

// kernel: kernel.14.cloned.1.call-start
scs
__scs_entry_jumppad:
0x0: {  	(pc) =	sbr.rel $0x88, $3  }
0x1: {  	(tag) =	ssettag $0x0;
	lr =	simm.s32 $0x1  }
0x2: {  	[smem:$0x3F91] =	sst lr;
	_ =	strace $0xD0000000  }
0x3: {  	_ = 	snop  }
0x4: {  	_ = 	snop  }
0x5: {  	_ = 	snop  }
0x6: {  	_ = 	snop  }
0x7: {  	_ = 	snop  }
__scs_overlays_trampoline_lowered:
0x8: {  	[smem:$0x3FA0] =	sst s0  }
0x9: {  	[smem:$0x3FA1] =	sst s1  }
0xa: {  	[smem:$0x3FA2] =	sst s2  }
0xb: {  	[smem:$0x3FA3] =	sst s3  }
0xc: {  	[smem:$0x3FA4] =	sst s4  }
0xd: {  	[smem:$0x3FA5] =	sst s5  }
0xe: {  	[smem:$0x3FA6] =	sst s6  }
0xf: {  	[smem:$0x3FA7] =	sst s7  }
0x10: {  	[smem:$0x3FA8] =	sst s8  }
0x11: {  	[smem:$0x3FA9] =	sst s9;
	s0 =	simm.s32 @!p0 $0x0  }
0x12: {  	s1 =	sld [smem:$0x3F8F];
	s0 =	simm.s32 @p0 $0x1  }
0x13: {  	[smem:$0x3FAA] =	sst s0;
	s0 =	simm.s32 @!p1 $0x0  }
0x14: {  	s2 =	sld [smem:$0x3F8E];
	s0 =	simm.s32 @p1 $0x1  }
0x15: {  	[smem:$0x3FAB] =	sst s0;
	s0 =	simm.s32 @!p2 $0x0  }
0x16: {  	s3 =	sld [smem:$0x3FDB];
	s0 =	simm.s32 @p2 $0x1  }
0x17: {  	s4 =	simm.s32 $0x1BF5;
	[smem:$0x3FAD] =	sst s0  }
0x18: {  	s0 =	sld [smem:$0x3F90];
	_ =	swait.ge [sflag:s4], $0x0  }
0x19: {  	s7 =	sld [smem:$0x3F91]  }
0x1a: {  	s8 =	sadd.s32 $0xFFFFE003, lr  }
0x1b: {  	s9 =	sadd.s32 $0xFFFFFEF7, lr;
	s5 =	simm.s32 $0xFFFFFFFF;
	p2 =	slt.u32 s8, $0xFFFFF086  }
0x1c: {  	p1 =	slt.u32 s9, $0xF7A;
	s5 =	simm.s32 @!p2 $0x0  }
0x1d: {  	s5 =	simm.s32 @p1 $0x1;
	p0 =	seq.s32 s7, s2  }
0x1e: {  	s7 =	smul.u32 @!p0 $0xF7A, s2;
	p2 =	seq.s32 @!p0 s5, $0x0  }
0x1f: {  	s9 =	smul.u32 $0xF7A, s1;
	s8 =	simm.s32 @!p0 $0x1BF5;
	p2 =	por !p2, p0  }
0x20: {  	[sflag:s8] =	ssyncset.s32 @!p0 $0xFFFFF086;
	s6 =	sadd.s32 @!p0 s3, s7;
	s7 =	simm.s32 @!p0 $0x108  }
0x21: {  	s3 =	sadd.s32 s3, s9;
	s6 =	sadd.s32 @!p0 $0x88, s6;
	s7 =	simm.s32 @p2 $0x1082  }
0x22: {  	[simem:s7], [sflag:s8] =	dma.local @!p0 [hbm:s6], $0xF7A  }
0x23: {  	s9 =	sor.u32 $0xD0000000, s2;
	s6 =	simm.s32 $0x108;
	_ =	swait.ge @!p0 [sflag:s8], $0x0  }
0x24: {  	s3 =	sadd.s32 $0x88, s3;
	s6 =	simm.s32 @!p1 $0x1082;
	[sflag:s4] =	ssyncset.s32 $0xFFFFF086  }
0x25: {  	[simem:s6], [sflag:s4] =	dma.local [hbm:s3], $0xF7A  }
0x26: {  	[smem:$0x3F91] =	sst s1;
	(tag) =	ssettag s2;
	_ =	strace s9  }
0x27: {  	s1 =	sld [smem:$0x3FA1]  }
0x28: {  	s2 =	sld [smem:$0x3FA2]  }
0x29: {  	s4 =	sld [smem:$0x3FA4]  }
0x2a: {  	p0 =	seq.s32 s5, $0x0;
	s5 =	sld [smem:$0x3FA5]  }
0x2b: {  	s6 =	sld [smem:$0x3FA6]  }
0x2c: {  	s7 =	sld [smem:$0x3FA7]  }
0x2d: {  	s3 =	simm.s32 $0x108;
	s8 =	sld [smem:$0x3FA8]  }
0x2e: {  	s3 =	simm.s32 @!p0 $0x1082;
	s9 =	sld [smem:$0x3FA9]  }
0x2f: {  	lr =	sadd.s32 s0, s3;
	s0 =	sld [smem:$0x3FA0]  }
0x30: {  	s3 =	sld [smem:$0x3FA3]  }
0x31: {  	[smem:$0x3FAC] =	sst s10  }
0x32: {  	s10 =	sld [smem:$0x3FAA];
	_ =	sdelay $0x3  }
0x33: {  	p0 =	seq.s32 s10, $0x1;
	s10 =	sld [smem:$0x3FAC];
	_ =	sdelay $0x3  }
0x34: {  	[smem:$0x3FAC] =	sst s10  }
0x35: {  	s10 =	sld [smem:$0x3FAB];
	_ =	sdelay $0x3  }
0x36: {  	p1 =	seq.s32 s10, $0x1;
	s10 =	sld [smem:$0x3FAC];
	_ =	sdelay $0x3  }
0x37: {  	[smem:$0x3FAC] =	sst s10  }
0x38: {  	s10 =	sld [smem:$0x3FAD]  }
0x39: {  	_ = 	snop;
	(pc) =	sbr.ind lr, $3  }
0x3a: {  	_ = 	snop  }
0x3b: {  	_ = 	snop  }
0x3c: {  	p2 =	seq.s32 s10, $0x1;
	s10 =	sld [smem:$0x3FAC]  }
0x3d: {  	_ =	shalt  }
0x3e: {  	_ =	shalt  }
0x3f: {  	_ =	shalt  }
0x40: {  	_ =	shalt  }
0x41: {  	_ =	shalt  }
0x42: {  	_ =	shalt  }
0x43: {  	_ =	shalt  }
0x44: {  	_ =	shalt  }
0x45: {  	_ =	shalt  }
0x46: {  	_ =	shalt  }
0x47: {  	_ =	shalt  }
0x48: {  	_ =	shalt  }
0x49: {  	_ =	shalt  }
0x4a: {  	_ =	shalt  }
0x4b: {  	_ =	shalt  }
0x4c: {  	_ =	shalt  }
0x4d: {  	_ =	shalt  }
0x4e: {  	_ =	shalt  }
0x4f: {  	_ =	shalt  }
0x50: {  	_ =	shalt  }
0x51: {  	_ =	shalt  }
0x52: {  	_ =	shalt  }
0x53: {  	_ =	shalt  }
0x54: {  	_ =	shalt  }
0x55: {  	_ =	shalt  }
0x56: {  	_ =	shalt  }
0x57: {  	_ =	shalt  }
0x58: {  	_ =	shalt  }
0x59: {  	_ =	shalt  }
0x5a: {  	_ =	shalt  }
0x5b: {  	_ =	shalt  }
0x5c: {  	_ =	shalt  }
0x5d: {  	_ =	shalt  }
0x5e: {  	_ =	shalt  }
0x5f: {  	_ =	shalt  }
0x60: {  	_ =	shalt  }
0x61: {  	_ =	shalt  }
0x62: {  	_ =	shalt  }
0x63: {  	_ =	shalt  }
0x64: {  	_ =	shalt  }
0x65: {  	_ =	shalt  }
0x66: {  	_ =	shalt  }
0x67: {  	_ =	shalt  }
0x68: {  	_ =	shalt  }
0x69: {  	_ =	shalt  }
0x6a: {  	_ =	shalt  }
0x6b: {  	_ =	shalt  }
0x6c: {  	_ =	shalt  }
0x6d: {  	_ =	shalt  }
0x6e: {  	_ =	shalt  }
0x6f: {  	_ =	shalt  }
0x70: {  	_ =	shalt  }
0x71: {  	_ =	shalt  }
0x72: {  	_ =	shalt  }
0x73: {  	_ =	shalt  }
0x74: {  	_ =	shalt  }
0x75: {  	_ =	shalt  }
0x76: {  	_ =	shalt  }
0x77: {  	_ =	shalt  }
0x78: {  	_ =	shalt  }
0x79: {  	_ =	shalt  }
0x7a: {  	_ =	shalt  }
0x7b: {  	_ =	shalt  }
0x7c: {  	_ =	shalt  }
0x7d: {  	_ =	shalt  }
0x7e: {  	_ =	shalt  }
0x7f: {  	_ =	shalt  }
0x80: {  	_ =	shalt  }
0x81: {  	_ =	shalt  }
0x82: {  	_ =	shalt  }
0x83: {  	_ =	shalt  }
0x84: {  	_ =	shalt  }
0x85: {  	_ =	shalt  }
0x86: {  	_ =	shalt  }
0x87: {  	_ =	shalt  }
.Lfunc_end0:
.L_simem_size_0:
called_computation.2_lowered:
.L_overlay_start_0:
0x88: {  	s2 =	sld [smem:$0x3FD9]  }
0x89: {  	s3 =	sld [smem:$0x3FFE];
	_ =	sdelay $0x1  }
0x8a: {  	s1 =	srdreg.scid  }
0x8b: {  	s0 =	sand.u32 $0x1, s1  }
0x8c: {  	s16 =	sshll.u32 s0, $0xA;
	s2 =	sadd.s32 s3, s2  }
0x8d: {  	s2 =	sadd.s32 s2, s16  }
0x8e: {  	[smem:$0x3FB8] =	sst s2  }
0x8f: {  	_ = 	snop  }
0x90: {  	(tm) =	ssettm $0x1  }
0x91: {  	s17 =	sld [smem:$0x3FFB];
	_ =	sdelay $0x3  }
0x92: {  	_ =	strace s17  }
0x93: {  	s2 =	sld [smem:$0x3FFC];
	_ =	sdelay $0x3  }
0x94: {  	_ =	strace s2  }
0x95: {  	s2 =	sld [smem:$0x3FFD];
	_ =	sdelay $0x3  }
0x96: {  	_ =	strace s2  }
0x97: {  	_ =	strace $0x8FFFFFFF  }
0x98: {  	s18 =	sld [smem:$0x3FDB];
	_ =	sdelay $0x1  }
0x99: {  	s19 =	simm.s32 $_scs_section_size  }
0x9a: {  	s4 =	simm.s32 $_size__tile_overlayer_lowered;
	s5 =	simm.s32 $_tile_overlayer_lowered  }
0x9b: {  	s22 =	simm.s32 $0x1BFF;
	s21 =	sshll.u32 s5, $0x1;
	s2 =	sadd.s32 s19, s18  }
0x9c: {  	s6 =	simm.s32 $0x0;
	s20 =	sshll.u32 s4, $0x1;
	s4 =	sadd.s32 s21, s2  }
0x9d: {  	[timem:s6], [sflag:s22] =	dma.local [hbm:s4], s20  }
0x9e: {  	_ =	swait.ge [sflag:s22], s20  }
0x9f: {  	s3 =	ssub.s32 $0x0, s20;
	[sflag:s22] =	ssyncset.done $0x0  }
0xa0: {  	[sflag:s22] =	ssyncadd.s32 s3;
	_ =	sdelay $0x1  }
0xa1: {  	s23 =	simm.s32 $0x1B8B  }
0xa2: {  	_ =	swait.ge [sflag:s23], $0x1  }
0xa3: {  	[sflag:s23] =	ssyncset.done $0x0  }
0xa4: {  	s25 =	simm.s32 $0x1B8E;
	s24 =	sld [smem:$0x3FFE];
	[sflag:s23] =	ssyncadd.s32 $0xFFFFFFFF  }
0xa5: {  	s26 =	simm.s32 $execute0_lowered;
	[smem:$0x3FD2] =	sst s25  }
0xa6: {  	s4 =	sshll.u32 s26, $0x1;
	_ =	strace $0x8000004C;
	[dreg:$0x1] =	wrdreg $0xFFFFFFFF  }
0xa7: {  	s28 =	simm.s32 $_size_execute0_lowered;
	s2 =	sadd.s32 s2, s4;
	[dreg:$0x0] =	wrdreg $0x0  }
0xa8: {  	s4 =	sshll.u32 s28, $0x1;
	[dreg:$0x2] =	wrdreg s2  }
0xa9: {  	[dreg:$0x3] =	wrdreg s4  }
0xaa: {  	[dreg:$0x4] =	wrdreg $0xC0  }
0xab: {  	_ =	task [dreg:s6], $0x5FFFF  }
0xac: {  	[dreg:$0x1] =	wrdreg $0xFFFFFFFF  }
0xad: {  	[dreg:$0x0] =	wrdreg $0x60  }
0xae: {  	[dreg:$0x2] =	wrdreg s24  }
0xaf: {  	[dreg:$0x3] =	wrdreg $0xA0000  }
0xb0: {  	[dreg:$0x4] =	wrdreg $0x9  }
0xb1: {  	_ =	task.clear_ibuf [dreg:s6], $0x5FFFF;
	_ =	strace $0x9000004C  }
0xb2: {  	s29 =	simm.s32 $0x9;
	_ =	strace $0x8000004E  }
0xb3: {  	_ =	swait.ge [sflag:s29], $0x1  }
0xb4: {  	[sflag:s29] =	ssyncadd.s32 $0xFFFFFFFF  }
0xb5: {  	_ =	strace $0x9000004E  }
0xb6: {  	_ =	sfence  }
0xb7: {  	s30 =	sld [smem:$0x0];
	_ =	sdelay $0x2  }
0xb8: {  	s31 =	sshll.u32 s1, $0xD;
	s1 =	sshrl.u32 s1, $0x2  }
0xb9: {  	s3 =	sand.u32 $0x4000, s31;
	s1 =	sadd.s32 s1, s30  }
0xba: {  	s0 =	sor.u32 s3, s0;
	s1 =	sshll.u32 s1, $0x11  }
0xbb: {  	s0 =	sor.u32 s1, s0  }
0xbc: {  	s0 =	sadd.s32 $0x8F2B, s0  }
0xbd: {  	[sflag:s0] =	ssyncadd.remote.s32 $0x1  }
0xbe: {  	_ =	sfence.sel $0xFFFF  }
0xbf: {  	[dreg:$0x0] =	wrdreg $0xFFFFFFFF;
	(pc) =	sbr.abs _section_cstart, $3  }
0xc0: {  	[dreg:$0x1] =	wrdreg $0xFFFFFFFF  }
0xc1: {  	_ =	task.clear_ibuf [dreg:s6], $0x2FFFF;
	_ =	strace $0x9FFFFFFF  }
0xc2: {  	(tm) =	ssettm $0x7FFFFFFF  }
0xc3: {  	_ =	shalt  }
tec
execute0_lowered:
.L_overlay_start_1:
0x0: {  	(tag) =	ssettag $0x1  }
0x1: {  	s6 =	rddreg [dreg:$0x0]  }
0x2: {  	s2 =	rddreg [dreg:$0x1]  }
0x3: {  	s0 =	rddreg [dreg:$0x2]  }
0x4: {  	s4 =	srdreg.scid;
	s1 =	stileid.u32;
	s3 =	simm.s32 $0x0  }
0x5: {  	s13 =	simm.s32 $0x6000;
	s14 =	simm.s32 $0x1;
	s7 =	sand.u32 $0x1, s4  }
0x6: {  	s29 =	sshll.u32 s1, $0x1;
	[smem:$0x7FF] =	sst s3;
	s12 =	smul.u32 $0x50000, s1  }
0x7: {  	s16 =	smul.u32 $0x2800, s1;
	s31 =	sshll.u32 s1, $0x6;
	s4 =	sor.u32 s7, s29  }
0x8: {  	_ =	strace $0x8000004D;
	s8 =	smul.u32 $0x28000, s7;
	s9 =	ssub.s32 $0x2, s7  }
0x9: {  	p0 =	seq.s32 s7, $0x0;
	s5 =	smul.u32 $0xC00, s4;
	s4 =	sadd.s32 $0x1C200, s6  }
0xa: {  	s11 =	sshrl.u32 s9, $0x1;
	s30 =	sshrl.u32 s12, $0x2;
	s12 =	simm.s32 $0x80  }
0xb: {  	s8 =	sadd.s32 s8, s6;
	s9 =	ssub.s32 s9, s11;
	s11 =	sadd.s32 s30, s2  }
0xc: {  	s10 =	sadd.s32 s5, s6;
	s5 =	sadd.s32 $0x44200, s6;
	s6 =	simm.s32 $0x30  }
0xd: {  	s15 =	sadd.s32 $0x46A00, s8;
	s8 =	smax.u32 s9, $0x1;
	s9 =	simm.s32 $0x2  }
0xe: {  	s11 =	sshrl.u32 s11, $0x3;
	s7 =	sadd.s32 $0x4200, s10;
	s6 =	simm.s32 @!p0 $0x1F  }
0xf: {  	s10 =	sor.u32 $0x1C02, s31;
	s15 =	sadd.s32 s16, s15;
	s16 =	simm.s32 $0x0  }
.LBB2_1:
0x10: {  	[tilespmem:s3], [sflag:$0x2] =	stream.linear.gather [hbm4b:s7+s3], $0x6000, $0x38;
	[tilespmem:$0x1E000] =	vst v63  }
0x11: {  	_ =	swait.ge [sflag:s9], $0x6000  }
0x12: {  	[sflag:s9] =	ssyncset.done $0x0  }
0x13: {  	[sflag:s9] =	ssyncadd.s32 $0xFFFFA000  }
0x14: {  	[spmem:s11], [sflag:s10] =	dma.local [hbm:s5], $0x2800  }
0x15: {  	_ =	swait.ge [sflag:s9], $0x2800  }
0x16: {  	[sflag:s9] =	ssyncset.done $0x0  }
0x17: {  	[sflag:s9] =	ssyncadd.s32 $0xFFFFD800  }
0x18: {  	[bflag:$0x0] =	sbarrier.arrive $0xFFFF  }
0x19: {  	[tilespmem:s13], [sflag:$0x1] =	stream.indirect.gather [hbm4b:s4+s12], $0x80, s3, s12, $0xb8;
	[tilespmem:$0x1E000] =	vst v63  }
0x1a: {  	_ =	swait.ge [sflag:s14], $0x4000  }
0x1b: {  	[sflag:s14] =	ssyncset.done $0x0  }
0x1c: {  	s17 =	simm.s32 $0x3000;
	[sflag:s14] =	ssyncadd.s32 $0xFFFFC000  }
0x1d: {  	[spmem:s2] =	stream.indirect.scatter.add.f32 [tilespmem:s13], [sflag:$0x2], $0x80, s17, s12, $0xb8;
	[tilespmem:$0x1E000] =	vst v63  }
0x1e: {  	_ =	swait.ge [sflag:s9], $0x4000  }
0x1f: {  	[sflag:s9] =	ssyncset.done $0x0  }
0x20: {  	s30 =	simm.s32 $0x80;
	[sflag:s9] =	ssyncadd.s32 $0xFFFFC000  }
0x21: {  	[tilespmem:s13], [sflag:$0x1] =	stream.indirect.gather [hbm4b:s4+s12], $0x80, s30, s12, $0xb8;
	[tilespmem:$0x1E000] =	vst v63  }
0x22: {  	p0 =	sne.s32 s6, $0x1;
	_ =	swait.ge [sflag:s14], $0x4000  }
.Ltmp0:
0x23: {  	[sflag:s14] =	ssyncset.done $0x0;
	(pc) =	sbr.rel @!p0 .LBB2_3-.Ltmp0, $4  }
0x24: {  	s31 =	simm.s32 $0x3080;
	[sflag:s14] =	ssyncadd.s32 $0xFFFFC000  }
0x25: {  	[spmem:s2] =	stream.indirect.scatter.add.f32 [tilespmem:s13], [sflag:$0x2], $0x80, s31, s12, $0xb8;
	[tilespmem:$0x1E000] =	vst v63  }
0x26: {  	_ =	swait.ge [sflag:s9], $0x4000  }
0x27: {  	s18 =	simm.s32 $0x0;
	s17 =	sadd.s32 $0xFFFFFFFF, s6;
	[sflag:s9] =	ssyncset.done $0x0  }
.LBB2_2:
0x28: {  	p0 =	sne.s32 s17, $0x1;
	[sflag:s9] =	ssyncadd.s32 $0xFFFFC000;
	s18 =	sadd.s32 $0x100, s18  }
0x29: {  	[tilespmem:s13], [sflag:$0x1] =	stream.indirect.gather [hbm4b:s4+s12], $0x80, s18, s12, $0xb8;
	[tilespmem:$0x1E000] =	vst v63  }
0x2a: {  	s17 =	sadd.s32 $0xFFFFFFFF, s17;
	_ =	swait.ge [sflag:s14], $0x4000  }
0x2b: {  	[sflag:s14] =	ssyncset.done $0x0  }
0x2c: {  	s19 =	sadd.s32 $0x3000, s18;
	[sflag:s14] =	ssyncadd.s32 $0xFFFFC000  }
0x2d: {  	[spmem:s2] =	stream.indirect.scatter.add.f32 [tilespmem:s13], [sflag:$0x2], $0x80, s19, s12, $0xb8;
	[tilespmem:$0x1E000] =	vst v63  }
0x2e: {  	_ =	swait.ge [sflag:s9], $0x4000  }
0x2f: {  	[sflag:s9] =	ssyncset.done $0x0  }
0x30: {  	s19 =	sadd.s32 $0x80, s18;
	[sflag:s9] =	ssyncadd.s32 $0xFFFFC000  }
0x31: {  	[tilespmem:s13], [sflag:$0x1] =	stream.indirect.gather [hbm4b:s4+s12], $0x80, s19, s12, $0xb8;
	[tilespmem:$0x1E000] =	vst v63  }
0x32: {  	_ =	swait.ge [sflag:s14], $0x4000  }
.Ltmp1:
0x33: {  	[sflag:s14] =	ssyncset.done $0x0;
	(pc) =	sbr.rel @p0 .LBB2_2-.Ltmp1, $4  }
0x34: {  	s19 =	sadd.s32 $0x3080, s18;
	[sflag:s14] =	ssyncadd.s32 $0xFFFFC000  }
0x35: {  	[spmem:s2] =	stream.indirect.scatter.add.f32 [tilespmem:s13], [sflag:$0x2], $0x80, s19, s12, $0xb8;
	[tilespmem:$0x1E000] =	vst v63  }
0x36: {  	_ =	swait.ge [sflag:s9], $0x4000  }
0x37: {  	[sflag:s9] =	ssyncset.done $0x0  }
.LBB2_3:
0x38: {  	s16 =	sadd.s32 $0x1, s16  }
0x39: {  	[sflag:s9] =	ssyncadd.s32 $0xFFFFC000;
	p0 =	sne.s32 s16, s8  }
.Ltmp2:
0x3a: {  	[bflag:$0x0] =	sbarrier.arrive $0xFFFF;
	(pc) =	sbr.rel @p0 .LBB2_1-.Ltmp2, $4  }
0x3b: {  	[hbm:s15], [sflag:s10] =	dma.local [spmem:s11], $0x2800  }
0x3c: {  	_ =	swait.ge [sflag:s9], $0x2800  }
0x3d: {  	[sflag:s9] =	ssyncset.done $0x0  }
0x3e: {  	[sflag:s9] =	ssyncadd.s32 $0xFFFFD800  }
0x3f: {  	_ =	sfence.sel $0x180000  }
0x40: {  	[bflag:$0x0] =	sbarrier.arrive $0xFFFF  }
0x41: {  	p0 =	sne.s32 s1, $0x0;
	_ =	strace $0x9000004D  }
0x42: {  	s0 =	sadd.s32 @!p0 $0x100000, s0;
	[bflag:$0x2] =	sbarrier.arrive $0xFFFF  }
0x43: {  	[sflag:s0] =	ssyncadd.tile.s32 @!p0 $0x1;
	_ =	shalt  }
.Lfunc_end2:
_tile_overlayer_lowered:
.L_overlay_start_2:
0x44: {  	(tag) =	ssettag $0x2  }
0x45: {  	s0 =	rddreg [dreg:$0x0];
	s2 =	stileid.u32  }
0x46: {  	s1 =	rddreg [dreg:$0x1];
	p0 =	sne.s32 s2, $0x0  }
0x47: {  	s3 =	rddreg [dreg:$0x2];
	[bflag:$0x3] =	sbarrier.arrive $0xFFFF;
	s2 =	simm.s32 @!p0 $0x1C02  }
0x48: {  	[timem:s3], [sflag:s2] =	dma.local @!p0 [hbm:s0], s1  }
0x49: {  	s0 =	simm.s32 @!p0 $0x2  }
0x4a: {  	_ =	swait.ge @!p0 [sflag:s0], s1  }
0x4b: {  	s1 =	ssub.s32 @!p0 $0x0, s1;
	[sflag:s0] =	ssyncset.done @!p0 $0x0  }
0x4c: {  	[sflag:s0] =	ssyncadd.s32 @!p0 s1  }
0x4d: {  	[bflag:$0x3] =	sbarrier.arrive $0xFFFF  }
0x4e: {  	_ =	shalt  }

// kernel: kernel.8.cloned.1.call-start
scs
__scs_entry_jumppad:
0x0: {  	(pc) =	sbr.rel $0x88, $3  }
0x1: {  	(tag) =	ssettag $0x0;
	lr =	simm.s32 $0x1  }
0x2: {  	[smem:$0x3F91] =	sst lr;
	_ =	strace $0xD0000000  }
0x3: {  	_ = 	snop  }
0x4: {  	_ = 	snop  }
0x5: {  	_ = 	snop  }
0x6: {  	_ = 	snop  }
0x7: {  	_ = 	snop  }
__scs_overlays_trampoline_lowered:
0x8: {  	[smem:$0x3FA0] =	sst s0  }
0x9: {  	[smem:$0x3FA1] =	sst s1  }
0xa: {  	[smem:$0x3FA2] =	sst s2  }
0xb: {  	[smem:$0x3FA3] =	sst s3  }
0xc: {  	[smem:$0x3FA4] =	sst s4  }
0xd: {  	[smem:$0x3FA5] =	sst s5  }
0xe: {  	[smem:$0x3FA6] =	sst s6  }
0xf: {  	[smem:$0x3FA7] =	sst s7  }
0x10: {  	[smem:$0x3FA8] =	sst s8  }
0x11: {  	[smem:$0x3FA9] =	sst s9;
	s0 =	simm.s32 @!p0 $0x0  }
0x12: {  	s1 =	sld [smem:$0x3F8F];
	s0 =	simm.s32 @p0 $0x1  }
0x13: {  	[smem:$0x3FAA] =	sst s0;
	s0 =	simm.s32 @!p1 $0x0  }
0x14: {  	s2 =	sld [smem:$0x3F8E];
	s0 =	simm.s32 @p1 $0x1  }
0x15: {  	[smem:$0x3FAB] =	sst s0;
	s0 =	simm.s32 @!p2 $0x0  }
0x16: {  	s3 =	sld [smem:$0x3FDB];
	s0 =	simm.s32 @p2 $0x1  }
0x17: {  	s4 =	simm.s32 $0x1BF5;
	[smem:$0x3FAD] =	sst s0  }
0x18: {  	s0 =	sld [smem:$0x3F90];
	_ =	swait.ge [sflag:s4], $0x0  }
0x19: {  	s7 =	sld [smem:$0x3F91]  }
0x1a: {  	s8 =	sadd.s32 $0xFFFFE003, lr  }
0x1b: {  	s9 =	sadd.s32 $0xFFFFFEF7, lr;
	s5 =	simm.s32 $0xFFFFFFFF;
	p2 =	slt.u32 s8, $0xFFFFF086  }
0x1c: {  	p1 =	slt.u32 s9, $0xF7A;
	s5 =	simm.s32 @!p2 $0x0  }
0x1d: {  	s5 =	simm.s32 @p1 $0x1;
	p0 =	seq.s32 s7, s2  }
0x1e: {  	s7 =	smul.u32 @!p0 $0xF7A, s2;
	p2 =	seq.s32 @!p0 s5, $0x0  }
0x1f: {  	s9 =	smul.u32 $0xF7A, s1;
	s8 =	simm.s32 @!p0 $0x1BF5;
	p2 =	por !p2, p0  }
0x20: {  	[sflag:s8] =	ssyncset.s32 @!p0 $0xFFFFF086;
	s6 =	sadd.s32 @!p0 s3, s7;
	s7 =	simm.s32 @!p0 $0x108  }
0x21: {  	s3 =	sadd.s32 s3, s9;
	s6 =	sadd.s32 @!p0 $0x88, s6;
	s7 =	simm.s32 @p2 $0x1082  }
0x22: {  	[simem:s7], [sflag:s8] =	dma.local @!p0 [hbm:s6], $0xF7A  }
0x23: {  	s9 =	sor.u32 $0xD0000000, s2;
	s6 =	simm.s32 $0x108;
	_ =	swait.ge @!p0 [sflag:s8], $0x0  }
0x24: {  	s3 =	sadd.s32 $0x88, s3;
	s6 =	simm.s32 @!p1 $0x1082;
	[sflag:s4] =	ssyncset.s32 $0xFFFFF086  }
0x25: {  	[simem:s6], [sflag:s4] =	dma.local [hbm:s3], $0xF7A  }
0x26: {  	[smem:$0x3F91] =	sst s1;
	(tag) =	ssettag s2;
	_ =	strace s9  }
0x27: {  	s1 =	sld [smem:$0x3FA1]  }
0x28: {  	s2 =	sld [smem:$0x3FA2]  }
0x29: {  	s4 =	sld [smem:$0x3FA4]  }
0x2a: {  	p0 =	seq.s32 s5, $0x0;
	s5 =	sld [smem:$0x3FA5]  }
0x2b: {  	s6 =	sld [smem:$0x3FA6]  }
0x2c: {  	s7 =	sld [smem:$0x3FA7]  }
0x2d: {  	s3 =	simm.s32 $0x108;
	s8 =	sld [smem:$0x3FA8]  }
0x2e: {  	s3 =	simm.s32 @!p0 $0x1082;
	s9 =	sld [smem:$0x3FA9]  }
0x2f: {  	lr =	sadd.s32 s0, s3;
	s0 =	sld [smem:$0x3FA0]  }
0x30: {  	s3 =	sld [smem:$0x3FA3]  }
0x31: {  	[smem:$0x3FAC] =	sst s10  }
0x32: {  	s10 =	sld [smem:$0x3FAA];
	_ =	sdelay $0x3  }
0x33: {  	p0 =	seq.s32 s10, $0x1;
	s10 =	sld [smem:$0x3FAC];
	_ =	sdelay $0x3  }
0x34: {  	[smem:$0x3FAC] =	sst s10  }
0x35: {  	s10 =	sld [smem:$0x3FAB];
	_ =	sdelay $0x3  }
0x36: {  	p1 =	seq.s32 s10, $0x1;
	s10 =	sld [smem:$0x3FAC];
	_ =	sdelay $0x3  }
0x37: {  	[smem:$0x3FAC] =	sst s10  }
0x38: {  	s10 =	sld [smem:$0x3FAD]  }
0x39: {  	_ = 	snop;
	(pc) =	sbr.ind lr, $3  }
0x3a: {  	_ = 	snop  }
0x3b: {  	_ = 	snop  }
0x3c: {  	p2 =	seq.s32 s10, $0x1;
	s10 =	sld [smem:$0x3FAC]  }
0x3d: {  	_ =	shalt  }
0x3e: {  	_ =	shalt  }
0x3f: {  	_ =	shalt  }
0x40: {  	_ =	shalt  }
0x41: {  	_ =	shalt  }
0x42: {  	_ =	shalt  }
0x43: {  	_ =	shalt  }
0x44: {  	_ =	shalt  }
0x45: {  	_ =	shalt  }
0x46: {  	_ =	shalt  }
0x47: {  	_ =	shalt  }
0x48: {  	_ =	shalt  }
0x49: {  	_ =	shalt  }
0x4a: {  	_ =	shalt  }
0x4b: {  	_ =	shalt  }
0x4c: {  	_ =	shalt  }
0x4d: {  	_ =	shalt  }
0x4e: {  	_ =	shalt  }
0x4f: {  	_ =	shalt  }
0x50: {  	_ =	shalt  }
0x51: {  	_ =	shalt  }
0x52: {  	_ =	shalt  }
0x53: {  	_ =	shalt  }
0x54: {  	_ =	shalt  }
0x55: {  	_ =	shalt  }
0x56: {  	_ =	shalt  }
0x57: {  	_ =	shalt  }
0x58: {  	_ =	shalt  }
0x59: {  	_ =	shalt  }
0x5a: {  	_ =	shalt  }
0x5b: {  	_ =	shalt  }
0x5c: {  	_ =	shalt  }
0x5d: {  	_ =	shalt  }
0x5e: {  	_ =	shalt  }
0x5f: {  	_ =	shalt  }
0x60: {  	_ =	shalt  }
0x61: {  	_ =	shalt  }
0x62: {  	_ =	shalt  }
0x63: {  	_ =	shalt  }
0x64: {  	_ =	shalt  }
0x65: {  	_ =	shalt  }
0x66: {  	_ =	shalt  }
0x67: {  	_ =	shalt  }
0x68: {  	_ =	shalt  }
0x69: {  	_ =	shalt  }
0x6a: {  	_ =	shalt  }
0x6b: {  	_ =	shalt  }
0x6c: {  	_ =	shalt  }
0x6d: {  	_ =	shalt  }
0x6e: {  	_ =	shalt  }
0x6f: {  	_ =	shalt  }
0x70: {  	_ =	shalt  }
0x71: {  	_ =	shalt  }
0x72: {  	_ =	shalt  }
0x73: {  	_ =	shalt  }
0x74: {  	_ =	shalt  }
0x75: {  	_ =	shalt  }
0x76: {  	_ =	shalt  }
0x77: {  	_ =	shalt  }
0x78: {  	_ =	shalt  }
0x79: {  	_ =	shalt  }
0x7a: {  	_ =	shalt  }
0x7b: {  	_ =	shalt  }
0x7c: {  	_ =	shalt  }
0x7d: {  	_ =	shalt  }
0x7e: {  	_ =	shalt  }
0x7f: {  	_ =	shalt  }
0x80: {  	_ =	shalt  }
0x81: {  	_ =	shalt  }
0x82: {  	_ =	shalt  }
0x83: {  	_ =	shalt  }
0x84: {  	_ =	shalt  }
0x85: {  	_ =	shalt  }
0x86: {  	_ =	shalt  }
0x87: {  	_ =	shalt  }
.Lfunc_end0:
.L_simem_size_0:
called_computation_lowered:
.L_overlay_start_0:
0x88: {  	s2 =	sld [smem:$0x3FD9]  }
0x89: {  	s3 =	sld [smem:$0x3FFE];
	_ =	sdelay $0x1  }
0x8a: {  	s1 =	srdreg.scid  }
0x8b: {  	s0 =	sand.u32 $0x1, s1  }
0x8c: {  	s16 =	sshll.u32 s0, $0xA;
	s2 =	sadd.s32 s3, s2  }
0x8d: {  	s2 =	sadd.s32 s2, s16  }
0x8e: {  	[smem:$0x3FB8] =	sst s2  }
0x8f: {  	_ = 	snop  }
0x90: {  	(tm) =	ssettm $0x1  }
0x91: {  	s17 =	sld [smem:$0x3FFB];
	_ =	sdelay $0x3  }
0x92: {  	_ =	strace s17  }
0x93: {  	s2 =	sld [smem:$0x3FFC];
	_ =	sdelay $0x3  }
0x94: {  	_ =	strace s2  }
0x95: {  	s2 =	sld [smem:$0x3FFD];
	_ =	sdelay $0x3  }
0x96: {  	_ =	strace s2  }
0x97: {  	_ =	strace $0x8FFFFFFF  }
0x98: {  	s18 =	sld [smem:$0x3FDB];
	_ =	sdelay $0x1  }
0x99: {  	s19 =	simm.s32 $_scs_section_size  }
0x9a: {  	s4 =	simm.s32 $_size__tile_overlayer_lowered;
	s5 =	simm.s32 $_tile_overlayer_lowered  }
0x9b: {  	s22 =	simm.s32 $0x1BFF;
	s21 =	sshll.u32 s5, $0x1;
	s2 =	sadd.s32 s19, s18  }
0x9c: {  	s6 =	simm.s32 $0x0;
	s20 =	sshll.u32 s4, $0x1;
	s4 =	sadd.s32 s21, s2  }
0x9d: {  	[timem:s6], [sflag:s22] =	dma.local [hbm:s4], s20  }
0x9e: {  	_ =	swait.ge [sflag:s22], s20  }
0x9f: {  	s3 =	ssub.s32 $0x0, s20;
	[sflag:s22] =	ssyncset.done $0x0  }
0xa0: {  	[sflag:s22] =	ssyncadd.s32 s3;
	_ =	sdelay $0x1  }
0xa1: {  	s23 =	simm.s32 $0x1B8B  }
0xa2: {  	_ =	swait.ge [sflag:s23], $0x1  }
0xa3: {  	[sflag:s23] =	ssyncset.done $0x0  }
0xa4: {  	s25 =	simm.s32 $0x1B8E;
	s24 =	sld [smem:$0x3FFE];
	[sflag:s23] =	ssyncadd.s32 $0xFFFFFFFF  }
0xa5: {  	s26 =	simm.s32 $execute0_lowered;
	[smem:$0x3FD2] =	sst s25  }
0xa6: {  	s4 =	sshll.u32 s26, $0x1;
	_ =	strace $0x80000046;
	[dreg:$0x1] =	wrdreg $0xFFFFFFFF  }
0xa7: {  	s28 =	simm.s32 $_size_execute0_lowered;
	s2 =	sadd.s32 s2, s4;
	[dreg:$0x0] =	wrdreg $0x0  }
0xa8: {  	s4 =	sshll.u32 s28, $0x1;
	[dreg:$0x2] =	wrdreg s2  }
0xa9: {  	[dreg:$0x3] =	wrdreg s4  }
0xaa: {  	[dreg:$0x4] =	wrdreg $0xC0  }
0xab: {  	_ =	task [dreg:s6], $0x5FFFF  }
0xac: {  	[dreg:$0x1] =	wrdreg $0xFFFFFFFF  }
0xad: {  	[dreg:$0x0] =	wrdreg $0x60  }
0xae: {  	[dreg:$0x2] =	wrdreg s24  }
0xaf: {  	[dreg:$0x3] =	wrdreg $0xA0000  }
0xb0: {  	[dreg:$0x4] =	wrdreg $0x9  }
0xb1: {  	_ =	task.clear_ibuf [dreg:s6], $0x5FFFF;
	_ =	strace $0x90000046  }
0xb2: {  	s29 =	simm.s32 $0x9;
	_ =	strace $0x80000048  }
0xb3: {  	_ =	swait.ge [sflag:s29], $0x1  }
0xb4: {  	[sflag:s29] =	ssyncadd.s32 $0xFFFFFFFF  }
0xb5: {  	_ =	strace $0x90000048  }
0xb6: {  	_ =	sfence  }
0xb7: {  	s30 =	sld [smem:$0x0];
	_ =	sdelay $0x2  }
0xb8: {  	s31 =	sshll.u32 s1, $0xD;
	s1 =	sshrl.u32 s1, $0x2  }
0xb9: {  	s3 =	sand.u32 $0x4000, s31;
	s1 =	sadd.s32 s1, s30  }
0xba: {  	s0 =	sor.u32 s3, s0;
	s1 =	sshll.u32 s1, $0x11  }
0xbb: {  	s0 =	sor.u32 s1, s0  }
0xbc: {  	s0 =	sadd.s32 $0x8F2B, s0  }
0xbd: {  	[sflag:s0] =	ssyncadd.remote.s32 $0x1  }
0xbe: {  	_ =	sfence.sel $0xFFFF  }
0xbf: {  	[dreg:$0x0] =	wrdreg $0xFFFFFFFF;
	(pc) =	sbr.abs _section_cstart, $3  }
0xc0: {  	[dreg:$0x1] =	wrdreg $0xFFFFFFFF  }
0xc1: {  	_ =	task.clear_ibuf [dreg:s6], $0x2FFFF;
	_ =	strace $0x9FFFFFFF  }
0xc2: {  	(tm) =	ssettm $0x7FFFFFFF  }
0xc3: {  	_ =	shalt  }
tec
execute0_lowered:
.L_overlay_start_1:
0x0: {  	(tag) =	ssettag $0x1  }
0x1: {  	s6 =	rddreg [dreg:$0x0]  }
0x2: {  	s2 =	rddreg [dreg:$0x1]  }
0x3: {  	s0 =	rddreg [dreg:$0x2]  }
0x4: {  	s4 =	srdreg.scid;
	s1 =	stileid.u32;
	s3 =	simm.s32 $0x0  }
0x5: {  	s13 =	simm.s32 $0x6000;
	s14 =	simm.s32 $0x1;
	s7 =	sand.u32 $0x1, s4  }
0x6: {  	s29 =	sshll.u32 s1, $0x1;
	[smem:$0x7FF] =	sst s3;
	s12 =	smul.u32 $0x50000, s1  }
0x7: {  	s16 =	smul.u32 $0x2800, s1;
	s31 =	sshll.u32 s1, $0x6;
	s4 =	sor.u32 s7, s29  }
0x8: {  	_ =	strace $0x80000047;
	s8 =	smul.u32 $0x28000, s7;
	s9 =	ssub.s32 $0x2, s7  }
0x9: {  	p0 =	seq.s32 s7, $0x0;
	s5 =	smul.u32 $0xC00, s4;
	s4 =	sadd.s32 $0x1C200, s6  }
0xa: {  	s11 =	sshrl.u32 s9, $0x1;
	s30 =	sshrl.u32 s12, $0x2;
	s12 =	simm.s32 $0x80  }
0xb: {  	s8 =	sadd.s32 s8, s6;
	s9 =	ssub.s32 s9, s11;
	s11 =	sadd.s32 s30, s2  }
0xc: {  	s10 =	sadd.s32 s5, s6;
	s5 =	sadd.s32 $0x44200, s6;
	s6 =	simm.s32 $0x30  }
0xd: {  	s15 =	sadd.s32 $0x46A00, s8;
	s8 =	smax.u32 s9, $0x1;
	s9 =	simm.s32 $0x2  }
0xe: {  	s11 =	sshrl.u32 s11, $0x3;
	s7 =	sadd.s32 $0x4200, s10;
	s6 =	simm.s32 @!p0 $0x1F  }
0xf: {  	s10 =	sor.u32 $0x1C02, s31;
	s15 =	sadd.s32 s16, s15;
	s16 =	simm.s32 $0x0  }
.LBB2_1:
0x10: {  	[tilespmem:s3], [sflag:$0x2] =	stream.linear.gather [hbm4b:s7+s3], $0x6000, $0x38;
	[tilespmem:$0x1E000] =	vst v63  }
0x11: {  	_ =	swait.ge [sflag:s9], $0x6000  }
0x12: {  	[sflag:s9] =	ssyncset.done $0x0  }
0x13: {  	[sflag:s9] =	ssyncadd.s32 $0xFFFFA000  }
0x14: {  	[spmem:s11], [sflag:s10] =	dma.local [hbm:s5], $0x2800  }
0x15: {  	_ =	swait.ge [sflag:s9], $0x2800  }
0x16: {  	[sflag:s9] =	ssyncset.done $0x0  }
0x17: {  	[sflag:s9] =	ssyncadd.s32 $0xFFFFD800  }
0x18: {  	[bflag:$0x0] =	sbarrier.arrive $0xFFFF  }
0x19: {  	[tilespmem:s13], [sflag:$0x1] =	stream.indirect.gather [hbm4b:s4+s12], $0x80, s3, s12, $0xb8;
	[tilespmem:$0x1E000] =	vst v63  }
0x1a: {  	_ =	swait.ge [sflag:s14], $0x4000  }
0x1b: {  	[sflag:s14] =	ssyncset.done $0x0  }
0x1c: {  	s17 =	simm.s32 $0x3000;
	[sflag:s14] =	ssyncadd.s32 $0xFFFFC000  }
0x1d: {  	[spmem:s2] =	stream.indirect.scatter.add.f32 [tilespmem:s13], [sflag:$0x2], $0x80, s17, s12, $0xb8;
	[tilespmem:$0x1E000] =	vst v63  }
0x1e: {  	_ =	swait.ge [sflag:s9], $0x4000  }
0x1f: {  	[sflag:s9] =	ssyncset.done $0x0  }
0x20: {  	s30 =	simm.s32 $0x80;
	[sflag:s9] =	ssyncadd.s32 $0xFFFFC000  }
0x21: {  	[tilespmem:s13], [sflag:$0x1] =	stream.indirect.gather [hbm4b:s4+s12], $0x80, s30, s12, $0xb8;
	[tilespmem:$0x1E000] =	vst v63  }
0x22: {  	p0 =	sne.s32 s6, $0x1;
	_ =	swait.ge [sflag:s14], $0x4000  }
.Ltmp0:
0x23: {  	[sflag:s14] =	ssyncset.done $0x0;
	(pc) =	sbr.rel @!p0 .LBB2_3-.Ltmp0, $4  }
0x24: {  	s31 =	simm.s32 $0x3080;
	[sflag:s14] =	ssyncadd.s32 $0xFFFFC000  }
0x25: {  	[spmem:s2] =	stream.indirect.scatter.add.f32 [tilespmem:s13], [sflag:$0x2], $0x80, s31, s12, $0xb8;
	[tilespmem:$0x1E000] =	vst v63  }
0x26: {  	_ =	swait.ge [sflag:s9], $0x4000  }
0x27: {  	s18 =	simm.s32 $0x0;
	s17 =	sadd.s32 $0xFFFFFFFF, s6;
	[sflag:s9] =	ssyncset.done $0x0  }
.LBB2_2:
0x28: {  	p0 =	sne.s32 s17, $0x1;
	[sflag:s9] =	ssyncadd.s32 $0xFFFFC000;
	s18 =	sadd.s32 $0x100, s18  }
0x29: {  	[tilespmem:s13], [sflag:$0x1] =	stream.indirect.gather [hbm4b:s4+s12], $0x80, s18, s12, $0xb8;
	[tilespmem:$0x1E000] =	vst v63  }
0x2a: {  	s17 =	sadd.s32 $0xFFFFFFFF, s17;
	_ =	swait.ge [sflag:s14], $0x4000  }
0x2b: {  	[sflag:s14] =	ssyncset.done $0x0  }
0x2c: {  	s19 =	sadd.s32 $0x3000, s18;
	[sflag:s14] =	ssyncadd.s32 $0xFFFFC000  }
0x2d: {  	[spmem:s2] =	stream.indirect.scatter.add.f32 [tilespmem:s13], [sflag:$0x2], $0x80, s19, s12, $0xb8;
	[tilespmem:$0x1E000] =	vst v63  }
0x2e: {  	_ =	swait.ge [sflag:s9], $0x4000  }
0x2f: {  	[sflag:s9] =	ssyncset.done $0x0  }
0x30: {  	s19 =	sadd.s32 $0x80, s18;
	[sflag:s9] =	ssyncadd.s32 $0xFFFFC000  }
0x31: {  	[tilespmem:s13], [sflag:$0x1] =	stream.indirect.gather [hbm4b:s4+s12], $0x80, s19, s12, $0xb8;
	[tilespmem:$0x1E000] =	vst v63  }
0x32: {  	_ =	swait.ge [sflag:s14], $0x4000  }
.Ltmp1:
0x33: {  	[sflag:s14] =	ssyncset.done $0x0;
	(pc) =	sbr.rel @p0 .LBB2_2-.Ltmp1, $4  }
0x34: {  	s19 =	sadd.s32 $0x3080, s18;
	[sflag:s14] =	ssyncadd.s32 $0xFFFFC000  }
0x35: {  	[spmem:s2] =	stream.indirect.scatter.add.f32 [tilespmem:s13], [sflag:$0x2], $0x80, s19, s12, $0xb8;
	[tilespmem:$0x1E000] =	vst v63  }
0x36: {  	_ =	swait.ge [sflag:s9], $0x4000  }
0x37: {  	[sflag:s9] =	ssyncset.done $0x0  }
.LBB2_3:
0x38: {  	s16 =	sadd.s32 $0x1, s16  }
0x39: {  	[sflag:s9] =	ssyncadd.s32 $0xFFFFC000;
	p0 =	sne.s32 s16, s8  }
.Ltmp2:
0x3a: {  	[bflag:$0x0] =	sbarrier.arrive $0xFFFF;
	(pc) =	sbr.rel @p0 .LBB2_1-.Ltmp2, $4  }
0x3b: {  	[hbm:s15], [sflag:s10] =	dma.local [spmem:s11], $0x2800  }
0x3c: {  	_ =	swait.ge [sflag:s9], $0x2800  }
0x3d: {  	[sflag:s9] =	ssyncset.done $0x0  }
0x3e: {  	[sflag:s9] =	ssyncadd.s32 $0xFFFFD800  }
0x3f: {  	_ =	sfence.sel $0x180000  }
0x40: {  	[bflag:$0x0] =	sbarrier.arrive $0xFFFF  }
0x41: {  	p0 =	sne.s32 s1, $0x0;
	_ =	strace $0x90000047  }
0x42: {  	s0 =	sadd.s32 @!p0 $0x100000, s0;
	[bflag:$0x2] =	sbarrier.arrive $0xFFFF  }
0x43: {  	[sflag:s0] =	ssyncadd.tile.s32 @!p0 $0x1;
	_ =	shalt  }
.Lfunc_end2:
_tile_overlayer_lowered:
.L_overlay_start_2:
0x44: {  	(tag) =	ssettag $0x2  }
0x45: {  	s0 =	rddreg [dreg:$0x0];
	s2 =	stileid.u32  }
0x46: {  	s1 =	rddreg [dreg:$0x1];
	p0 =	sne.s32 s2, $0x0  }
0x47: {  	s3 =	rddreg [dreg:$0x2];
	[bflag:$0x3] =	sbarrier.arrive $0xFFFF;
	s2 =	simm.s32 @!p0 $0x1C02  }
0x48: {  	[timem:s3], [sflag:s2] =	dma.local @!p0 [hbm:s0], s1  }
0x49: {  	s0 =	simm.s32 @!p0 $0x2  }
0x4a: {  	_ =	swait.ge @!p0 [sflag:s0], s1  }
0x4b: {  	s1 =	ssub.s32 @!p0 $0x0, s1;
	[sflag:s0] =	ssyncset.done @!p0 $0x0  }
0x4c: {  	[sflag:s0] =	ssyncadd.s32 @!p0 s1  }
0x4d: {  	[bflag:$0x3] =	sbarrier.arrive $0xFFFF  }
0x4e: {  	_ =	shalt  }

</sc_bundles>
